<compile_context>
chip_gen: v7x
topology: tpu7x:2x2x1
jax: 0.10.2.dev20260603
libtpu: 0.0.44.dev20260713+nightly
codegen_flags: <defaults>
</compile_context>

<pallas_src>
import jax
import jax.numpy as jnp
from jax import lax
from jax.experimental import pallas as pl
from jax.experimental.pallas import tpu as pltpu
from jax.experimental.pallas import tpu_sc as plsc

B, C, T, D = 8, 64, 1024, 64
QL, NCLS, NCH, NSUB = 256, 1000, 64, 1000
NC, NS = 2, 16
CHUNK = 128
NTJ = T // CHUNK


def _body(x_hbm, ids_hbm, sid_hbm, cond_hbm, qt_hbm, condz_hbm, ch_hbm,
          sub_hbm, out_hbm,
          idsv, sidv, che_all, sub_all, cidx, cese, qt, cest, xbuf, buf5,
          gsem, wsem, xsem):
    w = lax.axis_index("s") * NC + lax.axis_index("c")
    b = w // 4
    c0 = (w % 4) * 16
    iota = jnp.arange(16, dtype=jnp.int32)

    pltpu.sync_copy(ids_hbm, idsv)
    pltpu.sync_copy(sid_hbm, sidv)
    pltpu.sync_copy(qt_hbm, qt)
    pltpu.sync_copy(ch_hbm.at[idsv], che_all)
    pltpu.sync_copy(sub_hbm.at[sidv], sub_all)
    pltpu.sync_copy(cond_hbm.at[b], cidx)
    for j in range(NTJ):
        pltpu.async_copy(condz_hbm.at[cidx.at[j]],
                         cese.at[pl.ds(j * CHUNK, CHUNK)], gsem.at[j & 1])
    se_v = [sub_all[b, pl.ds(16 * k, 16)] for k in range(4)]

    @plsc.parallel_loop(0, NCH, 1, unroll=4)
    def fold_se(r):
        for k in range(4):
            plsc.addupdate(che_all.at[r, pl.ds(16 * k, 16)], se_v[k])

    for j in range(NTJ):
        pltpu.make_async_copy(condz_hbm.at[cidx.at[j]],
                              cese.at[pl.ds(j * CHUNK, CHUNK)],
                              gsem.at[j & 1]).wait()

    def write(i, tj):
        return pltpu.make_async_copy(
            buf5.at[i & 1], out_hbm.at[b * C + c0 + i, :, tj], wsem.at[i & 1])

    def xload(j, xq):
        return pltpu.make_async_copy(
            x_hbm.at[b, pl.ds(c0, 16), pl.ds(j * CHUNK, CHUNK)],
            xbuf.at[xq], xsem)

    xload(0, 0).start()
    xload(0, 0).wait()

    def tj_body(tj, carry):
        t0 = tj * CHUNK
        xq = tj & 1

        @pl.when(tj < NTJ - 1)
        def _():
            xload(tj + 1, 1 - xq).start()

        tv = [t0 + 16 * j + iota for j in range(NTJ)]

        @plsc.parallel_loop(0, D, 1, unroll=2)
        def t_body(d):
            dspl = jnp.full((16,), d, jnp.int32)
            for j in range(NTJ):
                cest[d, pl.ds(16 * j, 16)] = plsc.load_gather(
                    cese, [tv[j], dspl])

        def c_body(i, carry2):
            c = c0 + i
            p = i & 1
            xv = [xbuf[xq, i, pl.ds(16 * j, 16)] for j in range(NTJ)]

            @pl.when(i >= 2)
            def _():
                write(i - 2, tj).wait()

            @plsc.parallel_loop(0, D, 1, unroll=2)
            def d_body(d):
                dspl = jnp.full((16,), d, jnp.int32)
                addv = plsc.load_gather(che_all, [jnp.full((16,), c,
                                                          jnp.int32), dspl])
                for j in range(NTJ):
                    qv = plsc.load_gather(qt.at[d], [xv[j]])
                    cv = cest[d, pl.ds(16 * j, 16)]
                    buf5[p, d >> 3, d & 7, pl.ds(16 * j, 16)] = (
                        qv + cv + addv)

            write(i, tj).start()
            return carry2

        lax.fori_loop(0, 16, c_body, 0)
        write(14, tj).wait()
        write(15, tj).wait()

        @pl.when(tj < NTJ - 1)
        def _():
            xload(tj + 1, 1 - xq).wait()
        return carry

    lax.fori_loop(0, NTJ, tj_body, 0)


def kernel(x, ids, cond, sid, quant_table, cond_table, ch_table, sub_table):
    x32 = x.astype(jnp.int32)
    ids32 = ids.astype(jnp.int32)
    cond32 = cond.reshape(B, NTJ, CHUNK).astype(jnp.int32)
    sid32 = jnp.pad(sid.reshape(B).astype(jnp.int32), (0, 8))
    condz = cond_table.at[0].set(0.0)
    qt_t = quant_table.T

    p = pl.kernel(
        _body,
        out_type=jax.ShapeDtypeStruct((B * C, D // 8, NTJ, 8, CHUNK),
                                      jnp.float32),
        mesh=plsc.VectorSubcoreMesh(core_axis_name="c", subcore_axis_name="s",
                                    num_cores=NC, num_subcores=NS),
        compiler_params=pltpu.CompilerParams(use_tc_tiling_on_sc=False,
                                             needs_layout_passes=False),
        scratch_types=[
            pltpu.VMEM((NCH,), jnp.int32),
            pltpu.VMEM((16,), jnp.int32),
            pltpu.VMEM((NCH, D), jnp.float32),
            pltpu.VMEM((16, D), jnp.float32),
            pltpu.VMEM((NTJ, CHUNK), jnp.int32),
            pltpu.VMEM((T, D), jnp.float32),
            pltpu.VMEM((D, QL), jnp.float32),
            pltpu.VMEM((D, CHUNK), jnp.float32),
            pltpu.VMEM((2, 16, CHUNK), jnp.int32),
            pltpu.VMEM((2, 8, 8, CHUNK), jnp.float32),
            pltpu.SemaphoreType.DMA((2,)),
            pltpu.SemaphoreType.DMA((2,)),
            pltpu.SemaphoreType.DMA,
        ],
    )
    o5 = p(x32, ids32, sid32, cond32, qt_t, condz, ch_table, sub_table)
    return o5.transpose(0, 2, 4, 1, 3).reshape(B * C, T, D)

# --- scband reference (transcript-rebuilt; emitter-appended) ---
"""Pipeline reference for scband-embeddings-21139829031348 (READ-ONLY COPY).

The authoritative reference and input builder live on the scoring server;
editing this copy changes nothing except your own understanding.
"""

import jax, jax.numpy as jnp
import numpy as np

B, C, T, D = 8, 64, 1024, 64
NUM_CLASSES, QUANT_LEVELS, NUM_CHANNELS, SUBJECTS = 1000, 256, 64, 1000


def setup_inputs(seed: int = 0) -> dict:
    key = jax.random.key(seed)
    ks = jax.random.split(key, 8)
    x = jax.random.randint(ks[0], (B, C, T), 0, QUANT_LEVELS, dtype=jnp.int64 if jax.config.jax_enable_x64 else jnp.int32)
    ids = jax.random.randint(ks[1], (C,), 0, NUM_CHANNELS)
    cond = jax.random.randint(ks[2], (B, 1, T), 0, NUM_CLASSES)
    sid = jax.random.randint(ks[3], (B, 1, 1), 0, SUBJECTS)
    quant_table = jax.random.normal(ks[4], (QUANT_LEVELS, D), dtype=jnp.float32) * 0.02
    cond_table = jax.random.normal(ks[5], (NUM_CLASSES, D), dtype=jnp.float32) * 0.02
    ch_table = jax.random.normal(ks[6], (NUM_CHANNELS, D), dtype=jnp.float32) * 0.02
    sub_table = jax.random.normal(ks[7], (SUBJECTS, D), dtype=jnp.float32) * 0.02
    return {"x": x, "ids": ids, "cond": cond, "sid": sid,
            "quant_table": quant_table, "cond_table": cond_table,
            "ch_table": ch_table, "sub_table": sub_table}


def reference(x, ids, cond, sid, quant_table, cond_table, ch_table, sub_table):
    # quant_emb lookup: [B, C, T, D]
    xe = jnp.take(quant_table, x, axis=0)
    timesteps = xe.shape[2]
    channels = xe.shape[1]
    # class conditional embedding: cond [B, 1, T] -> [B, 1, T, D]
    ce = jnp.take(cond_table, cond, axis=0)
    mask = (cond[..., None] > 0).astype(ce.dtype)
    ce = ce * mask
    ce = jnp.broadcast_to(ce, (ce.shape[0], channels, timesteps, ce.shape[-1]))
    # subject embedding: sid [B, 1, 1] -> [B, 1, 1, D] -> expand channels
    se = jnp.take(sub_table, sid, axis=0)
    se = jnp.broadcast_to(se, (se.shape[0], channels, 1, se.shape[-1]))
    # channel embedding
    ch_ids = jnp.arange(NUM_CHANNELS)
    che = jnp.take(ch_table, ch_ids[ids], axis=0)  # [C, D]
    che = jnp.broadcast_to(che[None, None, :, :], (1, timesteps, channels, che.shape[-1]))
    che = jnp.transpose(che, (0, 2, 1, 3))  # [1, C, T, D]
    out = xe + che + ce + se
    out = out.reshape(-1, timesteps, out.shape[-1])  # [B*C, T, D]
    return out

if __name__ == "__main__":
    import jax
    _d = setup_inputs()
    print(jax.jit(kernel)(*tuple(_d.values())))

</pallas_src>

<mosaic_0001>
#map = affine_map<(d0, d1) -> (0, 0, 0)>
#map1 = affine_map<(d0, d1) -> (0)>
#map2 = affine_map<(d0, d1) -> (0, 0)>
#map3 = affine_map<(d0, d1) -> (0, 0, 0, 0, 0)>
module attributes {stable_mosaic.version = 14 : i64} {
  func.func @_body(%arg0: i32, %arg1: i32, %arg2: memref<8x64x1024xi32, #tpu.memory_space<hbm>>, %arg3: memref<64xi32, #tpu.memory_space<hbm>>, %arg4: memref<16xi32, #tpu.memory_space<hbm>>, %arg5: memref<8x8x128xi32, #tpu.memory_space<hbm>>, %arg6: memref<64x256xf32, #tpu.memory_space<hbm>>, %arg7: memref<1000x64xf32, #tpu.memory_space<hbm>>, %arg8: memref<64x64xf32, #tpu.memory_space<hbm>>, %arg9: memref<1000x64xf32, #tpu.memory_space<hbm>>, %arg10: memref<512x8x8x8x128xf32, #tpu.memory_space<hbm>>, %arg11: memref<64xi32, #tpu.memory_space<vmem>>, %arg12: memref<16xi32, #tpu.memory_space<vmem>>, %arg13: memref<64x64xf32, #tpu.memory_space<vmem>>, %arg14: memref<16x64xf32, #tpu.memory_space<vmem>>, %arg15: memref<8x128xi32, #tpu.memory_space<vmem>>, %arg16: memref<1024x64xf32, #tpu.memory_space<vmem>>, %arg17: memref<64x256xf32, #tpu.memory_space<vmem>>, %arg18: memref<64x128xf32, #tpu.memory_space<vmem>>, %arg19: memref<2x16x128xi32, #tpu.memory_space<vmem>>, %arg20: memref<2x8x8x128xf32, #tpu.memory_space<vmem>>, %arg21: memref<2x!tpu.dma_semaphore, #tpu.memory_space<semaphore_mem>>, %arg22: memref<2x!tpu.dma_semaphore, #tpu.memory_space<semaphore_mem>>, %arg23: memref<!tpu.dma_semaphore, #tpu.memory_space<semaphore_mem>>) attributes {dimension_semantics = [#tpu.dimension_semantics<core_parallel>, #tpu.dimension_semantics<subcore_parallel>], iteration_bounds = array<i64: 2, 16>, scalar_prefetch = 0 : i64, scratch_operands = 13 : i64, tpu.core_type = #tpu.core_type<sc_vector_subcore>, window_params = [{transform_indices = #map}, {transform_indices = #map1}, {transform_indices = #map1}, {transform_indices = #map}, {transform_indices = #map2}, {transform_indices = #map2}, {transform_indices = #map2}, {transform_indices = #map2}, {transform_indices = #map3}]} {
    %mul3A = arith.constant 2 : i32
    %mul3A_0 = arith.muli %arg1, %mul3A : i32
    %add3A = arith.addi %mul3A_0, %arg0 : i32
    %jit3A = arith.constant 4 : i32
    %div3A = arith.divsi %add3A, %jit3A : i32
    %sign3A = arith.constant 0 : i32
    %sign3A_1 = arith.cmpi sgt, %add3A, %sign3A : i32
    %sign3A_2 = arith.extui %sign3A_1 : i1 to i32
    %sign3A_3 = arith.constant 0 : i32
    %sign3A_4 = arith.cmpi slt, %add3A, %sign3A_3 : i32
    %sign3A_5 = arith.extui %sign3A_4 : i1 to i32
    %sign3A_6 = arith.subi %sign3A_2, %sign3A_5 : i32
    %sign3A_7 = arith.constant 0 : i32
    %sign3A_8 = arith.cmpi sgt, %jit3A, %sign3A_7 : i32
    %sign3A_9 = arith.extui %sign3A_8 : i1 to i32
    %sign3A_10 = arith.constant 0 : i32
    %sign3A_11 = arith.cmpi slt, %jit3A, %sign3A_10 : i32
    %sign3A_12 = arith.extui %sign3A_11 : i1 to i32
    %sign3A_13 = arith.subi %sign3A_9, %sign3A_12 : i32
    %ne3A = arith.cmpi ne, %sign3A_6, %sign3A_13 : i32
    %rem3A = arith.remsi %add3A, %jit3A : i32
    %ne3A_14 = arith.constant 0 : i32
    %ne3A_15 = arith.cmpi ne, %rem3A, %ne3A_14 : i32
    %and3A = arith.andi %ne3A, %ne3A_15 : i1
    %sub3A = arith.constant 1 : i32
    %sub3A_16 = arith.subi %div3A, %sub3A : i32
    %select_n3A = arith.select %and3A, %sub3A_16, %div3A : i32
    %jit3A_17 = arith.constant 4 : i32
    %eq3A = arith.constant 0 : i32
    %eq3A_18 = arith.cmpi eq, %jit3A_17, %eq3A : i32
    %jit3A_19 = arith.constant 1 : i32
    %select_n3A_20 = arith.select %eq3A_18, %jit3A_19, %jit3A_17 : i32
    %rem3A_21 = arith.remsi %add3A, %select_n3A_20 : i32
    %ne3A_22 = arith.constant 0 : i32
    %ne3A_23 = arith.cmpi ne, %rem3A_21, %ne3A_22 : i32
    %lt3A = arith.constant 0 : i32
    %lt3A_24 = arith.cmpi slt, %rem3A_21, %lt3A : i32
    %lt3A_25 = arith.constant 0 : i32
    %lt3A_26 = arith.cmpi slt, %select_n3A_20, %lt3A_25 : i32
    %ne3A_27 = arith.xori %lt3A_24, %lt3A_26 : i1
    %and3A_28 = arith.andi %ne3A_27, %ne3A_23 : i1
    %add3A_29 = arith.addi %rem3A_21, %select_n3A_20 : i32
    %select_n3A_30 = arith.select %and3A_28, %add3A_29, %rem3A_21 : i32
    %mul3A_31 = arith.constant 16 : i32
    %mul3A_32 = arith.muli %select_n3A_30, %mul3A_31 : i32
    %iota3A = tpu.iota {dimensions = array<i32: 0>} : vector<16xi32>
    "tpu.region"() ({
      %run_scoped3A = tpu.sem_alloc : memref<!tpu.dma_semaphore, #tpu.memory_space<semaphore_mem>>
      tpu.enqueue_dma source(%arg3 : memref<64xi32, #tpu.memory_space<hbm>>) target(%arg11 : memref<64xi32, #tpu.memory_space<vmem>>) target_semaphore(%run_scoped3A : memref<!tpu.dma_semaphore, #tpu.memory_space<semaphore_mem>>)
      tpu.wait_dma2 semaphore(%run_scoped3A : memref<!tpu.dma_semaphore, #tpu.memory_space<semaphore_mem>>) src(%arg3 : memref<64xi32, #tpu.memory_space<hbm>>) dst(%arg11 : memref<64xi32, #tpu.memory_space<vmem>>)
      tpu.yield
    }) : () -> ()
    "tpu.region"() ({
      %run_scoped3A = tpu.sem_alloc : memref<!tpu.dma_semaphore, #tpu.memory_space<semaphore_mem>>
      tpu.enqueue_dma source(%arg4 : memref<16xi32, #tpu.memory_space<hbm>>) target(%arg12 : memref<16xi32, #tpu.memory_space<vmem>>) target_semaphore(%run_scoped3A : memref<!tpu.dma_semaphore, #tpu.memory_space<semaphore_mem>>)
      tpu.wait_dma2 semaphore(%run_scoped3A : memref<!tpu.dma_semaphore, #tpu.memory_space<semaphore_mem>>) src(%arg4 : memref<16xi32, #tpu.memory_space<hbm>>) dst(%arg12 : memref<16xi32, #tpu.memory_space<vmem>>)
      tpu.yield
    }) : () -> ()
    "tpu.region"() ({
      %run_scoped3A = tpu.sem_alloc : memref<!tpu.dma_semaphore, #tpu.memory_space<semaphore_mem>>
      tpu.enqueue_dma source(%arg6 : memref<64x256xf32, #tpu.memory_space<hbm>>) target(%arg17 : memref<64x256xf32, #tpu.memory_space<vmem>>) target_semaphore(%run_scoped3A : memref<!tpu.dma_semaphore, #tpu.memory_space<semaphore_mem>>)
      tpu.wait_dma2 semaphore(%run_scoped3A : memref<!tpu.dma_semaphore, #tpu.memory_space<semaphore_mem>>) src(%arg6 : memref<64x256xf32, #tpu.memory_space<hbm>>) dst(%arg17 : memref<64x256xf32, #tpu.memory_space<vmem>>)
      tpu.yield
    }) : () -> ()
    "tpu.region"() ({
      %run_scoped3A = tpu.sem_alloc : memref<!tpu.dma_semaphore, #tpu.memory_space<semaphore_mem>>
      %dma_start3A_287 = arith.constant 0 : i32
      %dma_start3A_288 = arith.constant 0 : i32
      %dma_start3A_289 = tpu.memref_slice %arg8[%dma_start3A_287, %dma_start3A_288] : memref<64x64xf32, #tpu.memory_space<hbm>> -> memref<64x64xf32, #tpu.memory_space<hbm>>
      tpu.enqueue_indirect_dma source(%dma_start3A_289 : memref<64x64xf32, #tpu.memory_space<hbm>>) target(%arg13 : memref<64x64xf32, #tpu.memory_space<vmem>>) offsets(%arg11 : memref<64xi32, #tpu.memory_space<vmem>>) semaphore(%run_scoped3A : memref<!tpu.dma_semaphore, #tpu.memory_space<semaphore_mem>>)
      %dma_wait3A_290 = arith.constant 0 : i32
      %dma_wait3A_291 = arith.constant 0 : i32
      %dma_wait3A_292 = tpu.memref_slice %arg8[%dma_wait3A_290, %dma_wait3A_291] : memref<64x64xf32, #tpu.memory_space<hbm>> -> memref<64x64xf32, #tpu.memory_space<hbm>>
      tpu.wait_indirect_dma semaphore(%run_scoped3A : memref<!tpu.dma_semaphore, #tpu.memory_space<semaphore_mem>>) src(%dma_wait3A_292 : memref<64x64xf32, #tpu.memory_space<hbm>>) dst(%arg13 : memref<64x64xf32, #tpu.memory_space<vmem>>)
      tpu.yield
    }) : () -> ()
    "tpu.region"() ({
      %run_scoped3A = tpu.sem_alloc : memref<!tpu.dma_semaphore, #tpu.memory_space<semaphore_mem>>
      %dma_start3A_287 = arith.constant 0 : i32
      %dma_start3A_288 = arith.constant 0 : i32
      %dma_start3A_289 = tpu.memref_slice %arg9[%dma_start3A_287, %dma_start3A_288] : memref<1000x64xf32, #tpu.memory_space<hbm>> -> memref<1000x64xf32, #tpu.memory_space<hbm>>
      tpu.enqueue_indirect_dma source(%dma_start3A_289 : memref<1000x64xf32, #tpu.memory_space<hbm>>) target(%arg14 : memref<16x64xf32, #tpu.memory_space<vmem>>) offsets(%arg12 : memref<16xi32, #tpu.memory_space<vmem>>) semaphore(%run_scoped3A : memref<!tpu.dma_semaphore, #tpu.memory_space<semaphore_mem>>)
      %dma_wait3A_290 = arith.constant 0 : i32
      %dma_wait3A_291 = arith.constant 0 : i32
      %dma_wait3A_292 = tpu.memref_slice %arg9[%dma_wait3A_290, %dma_wait3A_291] : memref<1000x64xf32, #tpu.memory_space<hbm>> -> memref<1000x64xf32, #tpu.memory_space<hbm>>
      tpu.wait_indirect_dma semaphore(%run_scoped3A : memref<!tpu.dma_semaphore, #tpu.memory_space<semaphore_mem>>) src(%dma_wait3A_292 : memref<1000x64xf32, #tpu.memory_space<hbm>>) dst(%arg14 : memref<16x64xf32, #tpu.memory_space<vmem>>)
      tpu.yield
    }) : () -> ()
    "tpu.region"() ({
      %run_scoped3A = tpu.sem_alloc : memref<!tpu.dma_semaphore, #tpu.memory_space<semaphore_mem>>
      %dma_start3A_287 = arith.constant 0 : i32
      %dma_start3A_288 = arith.constant 0 : i32
      %dma_start3A_289 = tpu.memref_slice %arg5[%select_n3A, %dma_start3A_287, %dma_start3A_288] : memref<8x8x128xi32, #tpu.memory_space<hbm>> -> memref<1x8x128xi32, #tpu.memory_space<hbm>>
      %dma_start3A_290 = tpu.memref_squeeze %dma_start3A_289 : memref<1x8x128xi32, #tpu.memory_space<hbm>> -> memref<8x128xi32, #tpu.memory_space<hbm>>
      %dma_start3A_291 = arith.constant 0 : i32
      %dma_start3A_292 = arith.constant 0 : i32
      %dma_start3A_293 = tpu.memref_slice %arg5[%select_n3A, %dma_start3A_291, %dma_start3A_292] : memref<8x8x128xi32, #tpu.memory_space<hbm>> -> memref<1x8x128xi32, #tpu.memory_space<hbm>>
      %dma_start3A_294 = tpu.memref_squeeze %dma_start3A_293 : memref<1x8x128xi32, #tpu.memory_space<hbm>> -> memref<8x128xi32, #tpu.memory_space<hbm>>
      tpu.enqueue_dma source(%dma_start3A_294 : memref<8x128xi32, #tpu.memory_space<hbm>>) target(%arg15 : memref<8x128xi32, #tpu.memory_space<vmem>>) target_semaphore(%run_scoped3A : memref<!tpu.dma_semaphore, #tpu.memory_space<semaphore_mem>>)
      %dma_wait3A_295 = arith.constant 0 : i32
      %dma_wait3A_296 = arith.constant 0 : i32
      %dma_wait3A_297 = tpu.memref_slice %arg5[%select_n3A, %dma_wait3A_295, %dma_wait3A_296] : memref<8x8x128xi32, #tpu.memory_space<hbm>> -> memref<1x8x128xi32, #tpu.memory_space<hbm>>
      %dma_wait3A_298 = tpu.memref_squeeze %dma_wait3A_297 : memref<1x8x128xi32, #tpu.memory_space<hbm>> -> memref<8x128xi32, #tpu.memory_space<hbm>>
      %dma_wait3A_299 = arith.constant 0 : i32
      %dma_wait3A_300 = arith.constant 0 : i32
      %dma_wait3A_301 = tpu.memref_slice %arg5[%select_n3A, %dma_wait3A_299, %dma_wait3A_300] : memref<8x8x128xi32, #tpu.memory_space<hbm>> -> memref<1x8x128xi32, #tpu.memory_space<hbm>>
      %dma_wait3A_302 = tpu.memref_squeeze %dma_wait3A_301 : memref<1x8x128xi32, #tpu.memory_space<hbm>> -> memref<8x128xi32, #tpu.memory_space<hbm>>
      tpu.wait_dma2 semaphore(%run_scoped3A : memref<!tpu.dma_semaphore, #tpu.memory_space<semaphore_mem>>) src(%dma_wait3A_302 : memref<8x128xi32, #tpu.memory_space<hbm>>) dst(%arg15 : memref<8x128xi32, #tpu.memory_space<vmem>>)
      tpu.yield
    }) : () -> ()
    %dma_start3A = arith.constant 0 : i32
    %dma_start3A_33 = arith.constant 0 : i32
    %dma_start3A_34 = arith.constant 0 : i32
    %dma_start3A_35 = arith.constant 0 : i32
    %dma_start3A_36 = tpu.memref_slice %arg16[%dma_start3A_34, %dma_start3A_35] : memref<1024x64xf32, #tpu.memory_space<vmem>> -> memref<128x64xf32, #tpu.memory_space<vmem>>
    %dma_start3A_37 = arith.constant 0 : i32
    %dma_start3A_38 = tpu.memref_slice %arg15[%dma_start3A, %dma_start3A_37] : memref<8x128xi32, #tpu.memory_space<vmem>> -> memref<1x128xi32, #tpu.memory_space<vmem>>
    %dma_start3A_39 = tpu.memref_squeeze %dma_start3A_38 : memref<1x128xi32, #tpu.memory_space<vmem>> -> memref<128xi32, #tpu.memory_space<vmem>>
    %dma_start3A_40 = arith.constant 0 : i32
    %dma_start3A_41 = arith.constant 0 : i32
    %dma_start3A_42 = tpu.memref_slice %arg7[%dma_start3A_40, %dma_start3A_41] : memref<1000x64xf32, #tpu.memory_space<hbm>> -> memref<1000x64xf32, #tpu.memory_space<hbm>>
    %dma_start3A_43 = tpu.memref_slice %arg21[%dma_start3A_33] : memref<2x!tpu.dma_semaphore, #tpu.memory_space<semaphore_mem>> -> memref<1x!tpu.dma_semaphore, #tpu.memory_space<semaphore_mem>>
    %dma_start3A_44 = tpu.memref_squeeze %dma_start3A_43 : memref<1x!tpu.dma_semaphore, #tpu.memory_space<semaphore_mem>> -> memref<!tpu.dma_semaphore, #tpu.memory_space<semaphore_mem>>
    tpu.enqueue_indirect_dma source(%dma_start3A_42 : memref<1000x64xf32, #tpu.memory_space<hbm>>) target(%dma_start3A_36 : memref<128x64xf32, #tpu.memory_space<vmem>>) offsets(%dma_start3A_39 : memref<128xi32, #tpu.memory_space<vmem>>) semaphore(%dma_start3A_44 : memref<!tpu.dma_semaphore, #tpu.memory_space<semaphore_mem>>)
    %dma_start3A_45 = arith.constant 1 : i32
    %dma_start3A_46 = arith.constant 1 : i32
    %dma_start3A_47 = arith.constant 128 : i32
    %dma_start3A_48 = arith.constant 0 : i32
    %dma_start3A_49 = tpu.memref_slice %arg16[%dma_start3A_47, %dma_start3A_48] : memref<1024x64xf32, #tpu.memory_space<vmem>> -> memref<128x64xf32, #tpu.memory_space<vmem>>
    %dma_start3A_50 = arith.constant 0 : i32
    %dma_start3A_51 = tpu.memref_slice %arg15[%dma_start3A_45, %dma_start3A_50] : memref<8x128xi32, #tpu.memory_space<vmem>> -> memref<1x128xi32, #tpu.memory_space<vmem>>
    %dma_start3A_52 = tpu.memref_squeeze %dma_start3A_51 : memref<1x128xi32, #tpu.memory_space<vmem>> -> memref<128xi32, #tpu.memory_space<vmem>>
    %dma_start3A_53 = arith.constant 0 : i32
    %dma_start3A_54 = arith.constant 0 : i32
    %dma_start3A_55 = tpu.memref_slice %arg7[%dma_start3A_53, %dma_start3A_54] : memref<1000x64xf32, #tpu.memory_space<hbm>> -> memref<1000x64xf32, #tpu.memory_space<hbm>>
    %dma_start3A_56 = tpu.memref_slice %arg21[%dma_start3A_46] : memref<2x!tpu.dma_semaphore, #tpu.memory_space<semaphore_mem>> -> memref<1x!tpu.dma_semaphore, #tpu.memory_space<semaphore_mem>>
    %dma_start3A_57 = tpu.memref_squeeze %dma_start3A_56 : memref<1x!tpu.dma_semaphore, #tpu.memory_space<semaphore_mem>> -> memref<!tpu.dma_semaphore, #tpu.memory_space<semaphore_mem>>
    tpu.enqueue_indirect_dma source(%dma_start3A_55 : memref<1000x64xf32, #tpu.memory_space<hbm>>) target(%dma_start3A_49 : memref<128x64xf32, #tpu.memory_space<vmem>>) offsets(%dma_start3A_52 : memref<128xi32, #tpu.memory_space<vmem>>) semaphore(%dma_start3A_57 : memref<!tpu.dma_semaphore, #tpu.memory_space<semaphore_mem>>)
    %dma_start3A_58 = arith.constant 2 : i32
    %dma_start3A_59 = arith.constant 0 : i32
    %dma_start3A_60 = arith.constant 256 : i32
    %dma_start3A_61 = arith.constant 0 : i32
    %dma_start3A_62 = tpu.memref_slice %arg16[%dma_start3A_60, %dma_start3A_61] : memref<1024x64xf32, #tpu.memory_space<vmem>> -> memref<128x64xf32, #tpu.memory_space<vmem>>
    %dma_start3A_63 = arith.constant 0 : i32
    %dma_start3A_64 = tpu.memref_slice %arg15[%dma_start3A_58, %dma_start3A_63] : memref<8x128xi32, #tpu.memory_space<vmem>> -> memref<1x128xi32, #tpu.memory_space<vmem>>
    %dma_start3A_65 = tpu.memref_squeeze %dma_start3A_64 : memref<1x128xi32, #tpu.memory_space<vmem>> -> memref<128xi32, #tpu.memory_space<vmem>>
    %dma_start3A_66 = arith.constant 0 : i32
    %dma_start3A_67 = arith.constant 0 : i32
    %dma_start3A_68 = tpu.memref_slice %arg7[%dma_start3A_66, %dma_start3A_67] : memref<1000x64xf32, #tpu.memory_space<hbm>> -> memref<1000x64xf32, #tpu.memory_space<hbm>>
    %dma_start3A_69 = tpu.memref_slice %arg21[%dma_start3A_59] : memref<2x!tpu.dma_semaphore, #tpu.memory_space<semaphore_mem>> -> memref<1x!tpu.dma_semaphore, #tpu.memory_space<semaphore_mem>>
    %dma_start3A_70 = tpu.memref_squeeze %dma_start3A_69 : memref<1x!tpu.dma_semaphore, #tpu.memory_space<semaphore_mem>> -> memref<!tpu.dma_semaphore, #tpu.memory_space<semaphore_mem>>
    tpu.enqueue_indirect_dma source(%dma_start3A_68 : memref<1000x64xf32, #tpu.memory_space<hbm>>) target(%dma_start3A_62 : memref<128x64xf32, #tpu.memory_space<vmem>>) offsets(%dma_start3A_65 : memref<128xi32, #tpu.memory_space<vmem>>) semaphore(%dma_start3A_70 : memref<!tpu.dma_semaphore, #tpu.memory_space<semaphore_mem>>)
    %dma_start3A_71 = arith.constant 3 : i32
    %dma_start3A_72 = arith.constant 1 : i32
    %dma_start3A_73 = arith.constant 384 : i32
    %dma_start3A_74 = arith.constant 0 : i32
    %dma_start3A_75 = tpu.memref_slice %arg16[%dma_start3A_73, %dma_start3A_74] : memref<1024x64xf32, #tpu.memory_space<vmem>> -> memref<128x64xf32, #tpu.memory_space<vmem>>
    %dma_start3A_76 = arith.constant 0 : i32
    %dma_start3A_77 = tpu.memref_slice %arg15[%dma_start3A_71, %dma_start3A_76] : memref<8x128xi32, #tpu.memory_space<vmem>> -> memref<1x128xi32, #tpu.memory_space<vmem>>
    %dma_start3A_78 = tpu.memref_squeeze %dma_start3A_77 : memref<1x128xi32, #tpu.memory_space<vmem>> -> memref<128xi32, #tpu.memory_space<vmem>>
    %dma_start3A_79 = arith.constant 0 : i32
    %dma_start3A_80 = arith.constant 0 : i32
    %dma_start3A_81 = tpu.memref_slice %arg7[%dma_start3A_79, %dma_start3A_80] : memref<1000x64xf32, #tpu.memory_space<hbm>> -> memref<1000x64xf32, #tpu.memory_space<hbm>>
    %dma_start3A_82 = tpu.memref_slice %arg21[%dma_start3A_72] : memref<2x!tpu.dma_semaphore, #tpu.memory_space<semaphore_mem>> -> memref<1x!tpu.dma_semaphore, #tpu.memory_space<semaphore_mem>>
    %dma_start3A_83 = tpu.memref_squeeze %dma_start3A_82 : memref<1x!tpu.dma_semaphore, #tpu.memory_space<semaphore_mem>> -> memref<!tpu.dma_semaphore, #tpu.memory_space<semaphore_mem>>
    tpu.enqueue_indirect_dma source(%dma_start3A_81 : memref<1000x64xf32, #tpu.memory_space<hbm>>) target(%dma_start3A_75 : memref<128x64xf32, #tpu.memory_space<vmem>>) offsets(%dma_start3A_78 : memref<128xi32, #tpu.memory_space<vmem>>) semaphore(%dma_start3A_83 : memref<!tpu.dma_semaphore, #tpu.memory_space<semaphore_mem>>)
    %dma_start3A_84 = arith.constant 4 : i32
    %dma_start3A_85 = arith.constant 0 : i32
    %dma_start3A_86 = arith.constant 512 : i32
    %dma_start3A_87 = arith.constant 0 : i32
    %dma_start3A_88 = tpu.memref_slice %arg16[%dma_start3A_86, %dma_start3A_87] : memref<1024x64xf32, #tpu.memory_space<vmem>> -> memref<128x64xf32, #tpu.memory_space<vmem>>
    %dma_start3A_89 = arith.constant 0 : i32
    %dma_start3A_90 = tpu.memref_slice %arg15[%dma_start3A_84, %dma_start3A_89] : memref<8x128xi32, #tpu.memory_space<vmem>> -> memref<1x128xi32, #tpu.memory_space<vmem>>
    %dma_start3A_91 = tpu.memref_squeeze %dma_start3A_90 : memref<1x128xi32, #tpu.memory_space<vmem>> -> memref<128xi32, #tpu.memory_space<vmem>>
    %dma_start3A_92 = arith.constant 0 : i32
    %dma_start3A_93 = arith.constant 0 : i32
    %dma_start3A_94 = tpu.memref_slice %arg7[%dma_start3A_92, %dma_start3A_93] : memref<1000x64xf32, #tpu.memory_space<hbm>> -> memref<1000x64xf32, #tpu.memory_space<hbm>>
    %dma_start3A_95 = tpu.memref_slice %arg21[%dma_start3A_85] : memref<2x!tpu.dma_semaphore, #tpu.memory_space<semaphore_mem>> -> memref<1x!tpu.dma_semaphore, #tpu.memory_space<semaphore_mem>>
    %dma_start3A_96 = tpu.memref_squeeze %dma_start3A_95 : memref<1x!tpu.dma_semaphore, #tpu.memory_space<semaphore_mem>> -> memref<!tpu.dma_semaphore, #tpu.memory_space<semaphore_mem>>
    tpu.enqueue_indirect_dma source(%dma_start3A_94 : memref<1000x64xf32, #tpu.memory_space<hbm>>) target(%dma_start3A_88 : memref<128x64xf32, #tpu.memory_space<vmem>>) offsets(%dma_start3A_91 : memref<128xi32, #tpu.memory_space<vmem>>) semaphore(%dma_start3A_96 : memref<!tpu.dma_semaphore, #tpu.memory_space<semaphore_mem>>)
    %dma_start3A_97 = arith.constant 5 : i32
    %dma_start3A_98 = arith.constant 1 : i32
    %dma_start3A_99 = arith.constant 640 : i32
    %dma_start3A_100 = arith.constant 0 : i32
    %dma_start3A_101 = tpu.memref_slice %arg16[%dma_start3A_99, %dma_start3A_100] : memref<1024x64xf32, #tpu.memory_space<vmem>> -> memref<128x64xf32, #tpu.memory_space<vmem>>
    %dma_start3A_102 = arith.constant 0 : i32
    %dma_start3A_103 = tpu.memref_slice %arg15[%dma_start3A_97, %dma_start3A_102] : memref<8x128xi32, #tpu.memory_space<vmem>> -> memref<1x128xi32, #tpu.memory_space<vmem>>
    %dma_start3A_104 = tpu.memref_squeeze %dma_start3A_103 : memref<1x128xi32, #tpu.memory_space<vmem>> -> memref<128xi32, #tpu.memory_space<vmem>>
    %dma_start3A_105 = arith.constant 0 : i32
    %dma_start3A_106 = arith.constant 0 : i32
    %dma_start3A_107 = tpu.memref_slice %arg7[%dma_start3A_105, %dma_start3A_106] : memref<1000x64xf32, #tpu.memory_space<hbm>> -> memref<1000x64xf32, #tpu.memory_space<hbm>>
    %dma_start3A_108 = tpu.memref_slice %arg21[%dma_start3A_98] : memref<2x!tpu.dma_semaphore, #tpu.memory_space<semaphore_mem>> -> memref<1x!tpu.dma_semaphore, #tpu.memory_space<semaphore_mem>>
    %dma_start3A_109 = tpu.memref_squeeze %dma_start3A_108 : memref<1x!tpu.dma_semaphore, #tpu.memory_space<semaphore_mem>> -> memref<!tpu.dma_semaphore, #tpu.memory_space<semaphore_mem>>
    tpu.enqueue_indirect_dma source(%dma_start3A_107 : memref<1000x64xf32, #tpu.memory_space<hbm>>) target(%dma_start3A_101 : memref<128x64xf32, #tpu.memory_space<vmem>>) offsets(%dma_start3A_104 : memref<128xi32, #tpu.memory_space<vmem>>) semaphore(%dma_start3A_109 : memref<!tpu.dma_semaphore, #tpu.memory_space<semaphore_mem>>)
    %dma_start3A_110 = arith.constant 6 : i32
    %dma_start3A_111 = arith.constant 0 : i32
    %dma_start3A_112 = arith.constant 768 : i32
    %dma_start3A_113 = arith.constant 0 : i32
    %dma_start3A_114 = tpu.memref_slice %arg16[%dma_start3A_112, %dma_start3A_113] : memref<1024x64xf32, #tpu.memory_space<vmem>> -> memref<128x64xf32, #tpu.memory_space<vmem>>
    %dma_start3A_115 = arith.constant 0 : i32
    %dma_start3A_116 = tpu.memref_slice %arg15[%dma_start3A_110, %dma_start3A_115] : memref<8x128xi32, #tpu.memory_space<vmem>> -> memref<1x128xi32, #tpu.memory_space<vmem>>
    %dma_start3A_117 = tpu.memref_squeeze %dma_start3A_116 : memref<1x128xi32, #tpu.memory_space<vmem>> -> memref<128xi32, #tpu.memory_space<vmem>>
    %dma_start3A_118 = arith.constant 0 : i32
    %dma_start3A_119 = arith.constant 0 : i32
    %dma_start3A_120 = tpu.memref_slice %arg7[%dma_start3A_118, %dma_start3A_119] : memref<1000x64xf32, #tpu.memory_space<hbm>> -> memref<1000x64xf32, #tpu.memory_space<hbm>>
    %dma_start3A_121 = tpu.memref_slice %arg21[%dma_start3A_111] : memref<2x!tpu.dma_semaphore, #tpu.memory_space<semaphore_mem>> -> memref<1x!tpu.dma_semaphore, #tpu.memory_space<semaphore_mem>>
    %dma_start3A_122 = tpu.memref_squeeze %dma_start3A_121 : memref<1x!tpu.dma_semaphore, #tpu.memory_space<semaphore_mem>> -> memref<!tpu.dma_semaphore, #tpu.memory_space<semaphore_mem>>
    tpu.enqueue_indirect_dma source(%dma_start3A_120 : memref<1000x64xf32, #tpu.memory_space<hbm>>) target(%dma_start3A_114 : memref<128x64xf32, #tpu.memory_space<vmem>>) offsets(%dma_start3A_117 : memref<128xi32, #tpu.memory_space<vmem>>) semaphore(%dma_start3A_122 : memref<!tpu.dma_semaphore, #tpu.memory_space<semaphore_mem>>)
    %dma_start3A_123 = arith.constant 7 : i32
    %dma_start3A_124 = arith.constant 1 : i32
    %dma_start3A_125 = arith.constant 896 : i32
    %dma_start3A_126 = arith.constant 0 : i32
    %dma_start3A_127 = tpu.memref_slice %arg16[%dma_start3A_125, %dma_start3A_126] : memref<1024x64xf32, #tpu.memory_space<vmem>> -> memref<128x64xf32, #tpu.memory_space<vmem>>
    %dma_start3A_128 = arith.constant 0 : i32
    %dma_start3A_129 = tpu.memref_slice %arg15[%dma_start3A_123, %dma_start3A_128] : memref<8x128xi32, #tpu.memory_space<vmem>> -> memref<1x128xi32, #tpu.memory_space<vmem>>
    %dma_start3A_130 = tpu.memref_squeeze %dma_start3A_129 : memref<1x128xi32, #tpu.memory_space<vmem>> -> memref<128xi32, #tpu.memory_space<vmem>>
    %dma_start3A_131 = arith.constant 0 : i32
    %dma_start3A_132 = arith.constant 0 : i32
    %dma_start3A_133 = tpu.memref_slice %arg7[%dma_start3A_131, %dma_start3A_132] : memref<1000x64xf32, #tpu.memory_space<hbm>> -> memref<1000x64xf32, #tpu.memory_space<hbm>>
    %dma_start3A_134 = tpu.memref_slice %arg21[%dma_start3A_124] : memref<2x!tpu.dma_semaphore, #tpu.memory_space<semaphore_mem>> -> memref<1x!tpu.dma_semaphore, #tpu.memory_space<semaphore_mem>>
    %dma_start3A_135 = tpu.memref_squeeze %dma_start3A_134 : memref<1x!tpu.dma_semaphore, #tpu.memory_space<semaphore_mem>> -> memref<!tpu.dma_semaphore, #tpu.memory_space<semaphore_mem>>
    tpu.enqueue_indirect_dma source(%dma_start3A_133 : memref<1000x64xf32, #tpu.memory_space<hbm>>) target(%dma_start3A_127 : memref<128x64xf32, #tpu.memory_space<vmem>>) offsets(%dma_start3A_130 : memref<128xi32, #tpu.memory_space<vmem>>) semaphore(%dma_start3A_135 : memref<!tpu.dma_semaphore, #tpu.memory_space<semaphore_mem>>)
    %get3A = arith.index_cast %select_n3A : i32 to index
    %get3A_136 = arith.constant 0 : index
    %get3A_137 = tpu.vector_load %arg14[%get3A, %get3A_136] {strides = array<i32>} : memref<16x64xf32, #tpu.memory_space<vmem>>, vector<16xf32>,
    %get3A_138 = arith.index_cast %select_n3A : i32 to index
    %get3A_139 = arith.constant 16 : index
    %get3A_140 = tpu.vector_load %arg14[%get3A_138, %get3A_139] {strides = array<i32>} : memref<16x64xf32, #tpu.memory_space<vmem>>, vector<16xf32>,
    %get3A_141 = arith.index_cast %select_n3A : i32 to index
    %get3A_142 = arith.constant 32 : index
    %get3A_143 = tpu.vector_load %arg14[%get3A_141, %get3A_142] {strides = array<i32>} : memref<16x64xf32, #tpu.memory_space<vmem>>, vector<16xf32>,
    %get3A_144 = arith.index_cast %select_n3A : i32 to index
    %get3A_145 = arith.constant 48 : index
    %get3A_146 = tpu.vector_load %arg14[%get3A_144, %get3A_145] {strides = array<i32>} : memref<16x64xf32, #tpu.memory_space<vmem>>, vector<16xf32>,
    %parallel_loop3A = arith.constant 0 : i32
    %parallel_loop3A_147 = arith.constant 64 : i32
    %parallel_loop3A_148 = arith.constant 1 : i32
    scf.for %parallel_loop3A_287 = %parallel_loop3A to %parallel_loop3A_147 step %parallel_loop3A_148  : i32 {
      %parallel_loop3A_288 = arith.index_cast %parallel_loop3A_287 : i32 to index
      %parallel_loop3A_289 = arith.constant 0 : index
      %parallel_loop3A_290 = tpu.vector_load %arg13[%parallel_loop3A_288, %parallel_loop3A_289] {strides = array<i32>} : memref<64x64xf32, #tpu.memory_space<vmem>>, vector<16xf32>,
      tpu.vector_store %arg13[%parallel_loop3A_288, %parallel_loop3A_289], %get3A_137 {add = true, strides = array<i32>} : memref<64x64xf32, #tpu.memory_space<vmem>>, vector<16xf32>,
      %parallel_loop3A_291 = arith.index_cast %parallel_loop3A_287 : i32 to index
      %parallel_loop3A_292 = arith.constant 16 : index
      %parallel_loop3A_293 = tpu.vector_load %arg13[%parallel_loop3A_291, %parallel_loop3A_292] {strides = array<i32>} : memref<64x64xf32, #tpu.memory_space<vmem>>, vector<16xf32>,
      tpu.vector_store %arg13[%parallel_loop3A_291, %parallel_loop3A_292], %get3A_140 {add = true, strides = array<i32>} : memref<64x64xf32, #tpu.memory_space<vmem>>, vector<16xf32>,
      %parallel_loop3A_294 = arith.index_cast %parallel_loop3A_287 : i32 to index
      %parallel_loop3A_295 = arith.constant 32 : index
      %parallel_loop3A_296 = tpu.vector_load %arg13[%parallel_loop3A_294, %parallel_loop3A_295] {strides = array<i32>} : memref<64x64xf32, #tpu.memory_space<vmem>>, vector<16xf32>,
      tpu.vector_store %arg13[%parallel_loop3A_294, %parallel_loop3A_295], %get3A_143 {add = true, strides = array<i32>} : memref<64x64xf32, #tpu.memory_space<vmem>>, vector<16xf32>,
      %parallel_loop3A_297 = arith.index_cast %parallel_loop3A_287 : i32 to index
      %parallel_loop3A_298 = arith.constant 48 : index
      %parallel_loop3A_299 = tpu.vector_load %arg13[%parallel_loop3A_297, %parallel_loop3A_298] {strides = array<i32>} : memref<64x64xf32, #tpu.memory_space<vmem>>, vector<16xf32>,
      tpu.vector_store %arg13[%parallel_loop3A_297, %parallel_loop3A_298], %get3A_146 {add = true, strides = array<i32>} : memref<64x64xf32, #tpu.memory_space<vmem>>, vector<16xf32>,
    } {sc.loop_unroll_factor = 4 : i64, sc.parallel_access}
    %dma_wait3A = arith.constant 0 : i32
    %dma_wait3A_149 = arith.constant 0 : i32
    %dma_wait3A_150 = arith.constant 0 : i32
    %dma_wait3A_151 = arith.constant 0 : i32
    %dma_wait3A_152 = tpu.memref_slice %arg16[%dma_wait3A_150, %dma_wait3A_151] : memref<1024x64xf32, #tpu.memory_space<vmem>> -> memref<128x64xf32, #tpu.memory_space<vmem>>
    %dma_wait3A_153 = arith.constant 0 : i32
    %dma_wait3A_154 = tpu.memref_slice %arg15[%dma_wait3A, %dma_wait3A_153] : memref<8x128xi32, #tpu.memory_space<vmem>> -> memref<1x128xi32, #tpu.memory_space<vmem>>
    %dma_wait3A_155 = tpu.memref_squeeze %dma_wait3A_154 : memref<1x128xi32, #tpu.memory_space<vmem>> -> memref<128xi32, #tpu.memory_space<vmem>>
    %dma_wait3A_156 = arith.constant 0 : i32
    %dma_wait3A_157 = arith.constant 0 : i32
    %dma_wait3A_158 = tpu.memref_slice %arg7[%dma_wait3A_156, %dma_wait3A_157] : memref<1000x64xf32, #tpu.memory_space<hbm>> -> memref<1000x64xf32, #tpu.memory_space<hbm>>
    %dma_wait3A_159 = tpu.memref_slice %arg21[%dma_wait3A_149] : memref<2x!tpu.dma_semaphore, #tpu.memory_space<semaphore_mem>> -> memref<1x!tpu.dma_semaphore, #tpu.memory_space<semaphore_mem>>
    %dma_wait3A_160 = tpu.memref_squeeze %dma_wait3A_159 : memref<1x!tpu.dma_semaphore, #tpu.memory_space<semaphore_mem>> -> memref<!tpu.dma_semaphore, #tpu.memory_space<semaphore_mem>>
    tpu.wait_indirect_dma semaphore(%dma_wait3A_160 : memref<!tpu.dma_semaphore, #tpu.memory_space<semaphore_mem>>) src(%dma_wait3A_158 : memref<1000x64xf32, #tpu.memory_space<hbm>>) dst(%dma_wait3A_152 : memref<128x64xf32, #tpu.memory_space<vmem>>)
    %dma_wait3A_161 = arith.constant 1 : i32
    %dma_wait3A_162 = arith.constant 1 : i32
    %dma_wait3A_163 = arith.constant 128 : i32
    %dma_wait3A_164 = arith.constant 0 : i32
    %dma_wait3A_165 = tpu.memref_slice %arg16[%dma_wait3A_163, %dma_wait3A_164] : memref<1024x64xf32, #tpu.memory_space<vmem>> -> memref<128x64xf32, #tpu.memory_space<vmem>>
    %dma_wait3A_166 = arith.constant 0 : i32
    %dma_wait3A_167 = tpu.memref_slice %arg15[%dma_wait3A_161, %dma_wait3A_166] : memref<8x128xi32, #tpu.memory_space<vmem>> -> memref<1x128xi32, #tpu.memory_space<vmem>>
    %dma_wait3A_168 = tpu.memref_squeeze %dma_wait3A_167 : memref<1x128xi32, #tpu.memory_space<vmem>> -> memref<128xi32, #tpu.memory_space<vmem>>
    %dma_wait3A_169 = arith.constant 0 : i32
    %dma_wait3A_170 = arith.constant 0 : i32
    %dma_wait3A_171 = tpu.memref_slice %arg7[%dma_wait3A_169, %dma_wait3A_170] : memref<1000x64xf32, #tpu.memory_space<hbm>> -> memref<1000x64xf32, #tpu.memory_space<hbm>>
    %dma_wait3A_172 = tpu.memref_slice %arg21[%dma_wait3A_162] : memref<2x!tpu.dma_semaphore, #tpu.memory_space<semaphore_mem>> -> memref<1x!tpu.dma_semaphore, #tpu.memory_space<semaphore_mem>>
    %dma_wait3A_173 = tpu.memref_squeeze %dma_wait3A_172 : memref<1x!tpu.dma_semaphore, #tpu.memory_space<semaphore_mem>> -> memref<!tpu.dma_semaphore, #tpu.memory_space<semaphore_mem>>
    tpu.wait_indirect_dma semaphore(%dma_wait3A_173 : memref<!tpu.dma_semaphore, #tpu.memory_space<semaphore_mem>>) src(%dma_wait3A_171 : memref<1000x64xf32, #tpu.memory_space<hbm>>) dst(%dma_wait3A_165 : memref<128x64xf32, #tpu.memory_space<vmem>>)
    %dma_wait3A_174 = arith.constant 2 : i32
    %dma_wait3A_175 = arith.constant 0 : i32
    %dma_wait3A_176 = arith.constant 256 : i32
    %dma_wait3A_177 = arith.constant 0 : i32
    %dma_wait3A_178 = tpu.memref_slice %arg16[%dma_wait3A_176, %dma_wait3A_177] : memref<1024x64xf32, #tpu.memory_space<vmem>> -> memref<128x64xf32, #tpu.memory_space<vmem>>
    %dma_wait3A_179 = arith.constant 0 : i32
    %dma_wait3A_180 = tpu.memref_slice %arg15[%dma_wait3A_174, %dma_wait3A_179] : memref<8x128xi32, #tpu.memory_space<vmem>> -> memref<1x128xi32, #tpu.memory_space<vmem>>
    %dma_wait3A_181 = tpu.memref_squeeze %dma_wait3A_180 : memref<1x128xi32, #tpu.memory_space<vmem>> -> memref<128xi32, #tpu.memory_space<vmem>>
    %dma_wait3A_182 = arith.constant 0 : i32
    %dma_wait3A_183 = arith.constant 0 : i32
    %dma_wait3A_184 = tpu.memref_slice %arg7[%dma_wait3A_182, %dma_wait3A_183] : memref<1000x64xf32, #tpu.memory_space<hbm>> -> memref<1000x64xf32, #tpu.memory_space<hbm>>
    %dma_wait3A_185 = tpu.memref_slice %arg21[%dma_wait3A_175] : memref<2x!tpu.dma_semaphore, #tpu.memory_space<semaphore_mem>> -> memref<1x!tpu.dma_semaphore, #tpu.memory_space<semaphore_mem>>
    %dma_wait3A_186 = tpu.memref_squeeze %dma_wait3A_185 : memref<1x!tpu.dma_semaphore, #tpu.memory_space<semaphore_mem>> -> memref<!tpu.dma_semaphore, #tpu.memory_space<semaphore_mem>>
    tpu.wait_indirect_dma semaphore(%dma_wait3A_186 : memref<!tpu.dma_semaphore, #tpu.memory_space<semaphore_mem>>) src(%dma_wait3A_184 : memref<1000x64xf32, #tpu.memory_space<hbm>>) dst(%dma_wait3A_178 : memref<128x64xf32, #tpu.memory_space<vmem>>)
    %dma_wait3A_187 = arith.constant 3 : i32
    %dma_wait3A_188 = arith.constant 1 : i32
    %dma_wait3A_189 = arith.constant 384 : i32
    %dma_wait3A_190 = arith.constant 0 : i32
    %dma_wait3A_191 = tpu.memref_slice %arg16[%dma_wait3A_189, %dma_wait3A_190] : memref<1024x64xf32, #tpu.memory_space<vmem>> -> memref<128x64xf32, #tpu.memory_space<vmem>>
    %dma_wait3A_192 = arith.constant 0 : i32
    %dma_wait3A_193 = tpu.memref_slice %arg15[%dma_wait3A_187, %dma_wait3A_192] : memref<8x128xi32, #tpu.memory_space<vmem>> -> memref<1x128xi32, #tpu.memory_space<vmem>>
    %dma_wait3A_194 = tpu.memref_squeeze %dma_wait3A_193 : memref<1x128xi32, #tpu.memory_space<vmem>> -> memref<128xi32, #tpu.memory_space<vmem>>
    %dma_wait3A_195 = arith.constant 0 : i32
    %dma_wait3A_196 = arith.constant 0 : i32
    %dma_wait3A_197 = tpu.memref_slice %arg7[%dma_wait3A_195, %dma_wait3A_196] : memref<1000x64xf32, #tpu.memory_space<hbm>> -> memref<1000x64xf32, #tpu.memory_space<hbm>>
    %dma_wait3A_198 = tpu.memref_slice %arg21[%dma_wait3A_188] : memref<2x!tpu.dma_semaphore, #tpu.memory_space<semaphore_mem>> -> memref<1x!tpu.dma_semaphore, #tpu.memory_space<semaphore_mem>>
    %dma_wait3A_199 = tpu.memref_squeeze %dma_wait3A_198 : memref<1x!tpu.dma_semaphore, #tpu.memory_space<semaphore_mem>> -> memref<!tpu.dma_semaphore, #tpu.memory_space<semaphore_mem>>
    tpu.wait_indirect_dma semaphore(%dma_wait3A_199 : memref<!tpu.dma_semaphore, #tpu.memory_space<semaphore_mem>>) src(%dma_wait3A_197 : memref<1000x64xf32, #tpu.memory_space<hbm>>) dst(%dma_wait3A_191 : memref<128x64xf32, #tpu.memory_space<vmem>>)
    %dma_wait3A_200 = arith.constant 4 : i32
    %dma_wait3A_201 = arith.constant 0 : i32
    %dma_wait3A_202 = arith.constant 512 : i32
    %dma_wait3A_203 = arith.constant 0 : i32
    %dma_wait3A_204 = tpu.memref_slice %arg16[%dma_wait3A_202, %dma_wait3A_203] : memref<1024x64xf32, #tpu.memory_space<vmem>> -> memref<128x64xf32, #tpu.memory_space<vmem>>
    %dma_wait3A_205 = arith.constant 0 : i32
    %dma_wait3A_206 = tpu.memref_slice %arg15[%dma_wait3A_200, %dma_wait3A_205] : memref<8x128xi32, #tpu.memory_space<vmem>> -> memref<1x128xi32, #tpu.memory_space<vmem>>
    %dma_wait3A_207 = tpu.memref_squeeze %dma_wait3A_206 : memref<1x128xi32, #tpu.memory_space<vmem>> -> memref<128xi32, #tpu.memory_space<vmem>>
    %dma_wait3A_208 = arith.constant 0 : i32
    %dma_wait3A_209 = arith.constant 0 : i32
    %dma_wait3A_210 = tpu.memref_slice %arg7[%dma_wait3A_208, %dma_wait3A_209] : memref<1000x64xf32, #tpu.memory_space<hbm>> -> memref<1000x64xf32, #tpu.memory_space<hbm>>
    %dma_wait3A_211 = tpu.memref_slice %arg21[%dma_wait3A_201] : memref<2x!tpu.dma_semaphore, #tpu.memory_space<semaphore_mem>> -> memref<1x!tpu.dma_semaphore, #tpu.memory_space<semaphore_mem>>
    %dma_wait3A_212 = tpu.memref_squeeze %dma_wait3A_211 : memref<1x!tpu.dma_semaphore, #tpu.memory_space<semaphore_mem>> -> memref<!tpu.dma_semaphore, #tpu.memory_space<semaphore_mem>>
    tpu.wait_indirect_dma semaphore(%dma_wait3A_212 : memref<!tpu.dma_semaphore, #tpu.memory_space<semaphore_mem>>) src(%dma_wait3A_210 : memref<1000x64xf32, #tpu.memory_space<hbm>>) dst(%dma_wait3A_204 : memref<128x64xf32, #tpu.memory_space<vmem>>)
    %dma_wait3A_213 = arith.constant 5 : i32
    %dma_wait3A_214 = arith.constant 1 : i32
    %dma_wait3A_215 = arith.constant 640 : i32
    %dma_wait3A_216 = arith.constant 0 : i32
    %dma_wait3A_217 = tpu.memref_slice %arg16[%dma_wait3A_215, %dma_wait3A_216] : memref<1024x64xf32, #tpu.memory_space<vmem>> -> memref<128x64xf32, #tpu.memory_space<vmem>>
    %dma_wait3A_218 = arith.constant 0 : i32
    %dma_wait3A_219 = tpu.memref_slice %arg15[%dma_wait3A_213, %dma_wait3A_218] : memref<8x128xi32, #tpu.memory_space<vmem>> -> memref<1x128xi32, #tpu.memory_space<vmem>>
    %dma_wait3A_220 = tpu.memref_squeeze %dma_wait3A_219 : memref<1x128xi32, #tpu.memory_space<vmem>> -> memref<128xi32, #tpu.memory_space<vmem>>
    %dma_wait3A_221 = arith.constant 0 : i32
    %dma_wait3A_222 = arith.constant 0 : i32
    %dma_wait3A_223 = tpu.memref_slice %arg7[%dma_wait3A_221, %dma_wait3A_222] : memref<1000x64xf32, #tpu.memory_space<hbm>> -> memref<1000x64xf32, #tpu.memory_space<hbm>>
    %dma_wait3A_224 = tpu.memref_slice %arg21[%dma_wait3A_214] : memref<2x!tpu.dma_semaphore, #tpu.memory_space<semaphore_mem>> -> memref<1x!tpu.dma_semaphore, #tpu.memory_space<semaphore_mem>>
    %dma_wait3A_225 = tpu.memref_squeeze %dma_wait3A_224 : memref<1x!tpu.dma_semaphore, #tpu.memory_space<semaphore_mem>> -> memref<!tpu.dma_semaphore, #tpu.memory_space<semaphore_mem>>
    tpu.wait_indirect_dma semaphore(%dma_wait3A_225 : memref<!tpu.dma_semaphore, #tpu.memory_space<semaphore_mem>>) src(%dma_wait3A_223 : memref<1000x64xf32, #tpu.memory_space<hbm>>) dst(%dma_wait3A_217 : memref<128x64xf32, #tpu.memory_space<vmem>>)
    %dma_wait3A_226 = arith.constant 6 : i32
    %dma_wait3A_227 = arith.constant 0 : i32
    %dma_wait3A_228 = arith.constant 768 : i32
    %dma_wait3A_229 = arith.constant 0 : i32
    %dma_wait3A_230 = tpu.memref_slice %arg16[%dma_wait3A_228, %dma_wait3A_229] : memref<1024x64xf32, #tpu.memory_space<vmem>> -> memref<128x64xf32, #tpu.memory_space<vmem>>
    %dma_wait3A_231 = arith.constant 0 : i32
    %dma_wait3A_232 = tpu.memref_slice %arg15[%dma_wait3A_226, %dma_wait3A_231] : memref<8x128xi32, #tpu.memory_space<vmem>> -> memref<1x128xi32, #tpu.memory_space<vmem>>
    %dma_wait3A_233 = tpu.memref_squeeze %dma_wait3A_232 : memref<1x128xi32, #tpu.memory_space<vmem>> -> memref<128xi32, #tpu.memory_space<vmem>>
    %dma_wait3A_234 = arith.constant 0 : i32
    %dma_wait3A_235 = arith.constant 0 : i32
    %dma_wait3A_236 = tpu.memref_slice %arg7[%dma_wait3A_234, %dma_wait3A_235] : memref<1000x64xf32, #tpu.memory_space<hbm>> -> memref<1000x64xf32, #tpu.memory_space<hbm>>
    %dma_wait3A_237 = tpu.memref_slice %arg21[%dma_wait3A_227] : memref<2x!tpu.dma_semaphore, #tpu.memory_space<semaphore_mem>> -> memref<1x!tpu.dma_semaphore, #tpu.memory_space<semaphore_mem>>
    %dma_wait3A_238 = tpu.memref_squeeze %dma_wait3A_237 : memref<1x!tpu.dma_semaphore, #tpu.memory_space<semaphore_mem>> -> memref<!tpu.dma_semaphore, #tpu.memory_space<semaphore_mem>>
    tpu.wait_indirect_dma semaphore(%dma_wait3A_238 : memref<!tpu.dma_semaphore, #tpu.memory_space<semaphore_mem>>) src(%dma_wait3A_236 : memref<1000x64xf32, #tpu.memory_space<hbm>>) dst(%dma_wait3A_230 : memref<128x64xf32, #tpu.memory_space<vmem>>)
    %dma_wait3A_239 = arith.constant 7 : i32
    %dma_wait3A_240 = arith.constant 1 : i32
    %dma_wait3A_241 = arith.constant 896 : i32
    %dma_wait3A_242 = arith.constant 0 : i32
    %dma_wait3A_243 = tpu.memref_slice %arg16[%dma_wait3A_241, %dma_wait3A_242] : memref<1024x64xf32, #tpu.memory_space<vmem>> -> memref<128x64xf32, #tpu.memory_space<vmem>>
    %dma_wait3A_244 = arith.constant 0 : i32
    %dma_wait3A_245 = tpu.memref_slice %arg15[%dma_wait3A_239, %dma_wait3A_244] : memref<8x128xi32, #tpu.memory_space<vmem>> -> memref<1x128xi32, #tpu.memory_space<vmem>>
    %dma_wait3A_246 = tpu.memref_squeeze %dma_wait3A_245 : memref<1x128xi32, #tpu.memory_space<vmem>> -> memref<128xi32, #tpu.memory_space<vmem>>
    %dma_wait3A_247 = arith.constant 0 : i32
    %dma_wait3A_248 = arith.constant 0 : i32
    %dma_wait3A_249 = tpu.memref_slice %arg7[%dma_wait3A_247, %dma_wait3A_248] : memref<1000x64xf32, #tpu.memory_space<hbm>> -> memref<1000x64xf32, #tpu.memory_space<hbm>>
    %dma_wait3A_250 = tpu.memref_slice %arg21[%dma_wait3A_240] : memref<2x!tpu.dma_semaphore, #tpu.memory_space<semaphore_mem>> -> memref<1x!tpu.dma_semaphore, #tpu.memory_space<semaphore_mem>>
    %dma_wait3A_251 = tpu.memref_squeeze %dma_wait3A_250 : memref<1x!tpu.dma_semaphore, #tpu.memory_space<semaphore_mem>> -> memref<!tpu.dma_semaphore, #tpu.memory_space<semaphore_mem>>
    tpu.wait_indirect_dma semaphore(%dma_wait3A_251 : memref<!tpu.dma_semaphore, #tpu.memory_space<semaphore_mem>>) src(%dma_wait3A_249 : memref<1000x64xf32, #tpu.memory_space<hbm>>) dst(%dma_wait3A_243 : memref<128x64xf32, #tpu.memory_space<vmem>>)
    %dma_start3A_252 = arith.constant 0 : i32
    %dma_start3A_253 = arith.constant 0 : i32
    %dma_start3A_254 = arith.constant 0 : i32
    %dma_start3A_255 = tpu.memref_slice %arg19[%dma_start3A_252, %dma_start3A_253, %dma_start3A_254] : memref<2x16x128xi32, #tpu.memory_space<vmem>> -> memref<1x16x128xi32, #tpu.memory_space<vmem>>
    %dma_start3A_256 = tpu.memref_squeeze %dma_start3A_255 : memref<1x16x128xi32, #tpu.memory_space<vmem>> -> memref<16x128xi32, #tpu.memory_space<vmem>>
    %dma_start3A_257 = arith.constant 0 : i32
    %dma_start3A_258 = tpu.memref_slice %arg2[%select_n3A, %mul3A_32, %dma_start3A_257] : memref<8x64x1024xi32, #tpu.memory_space<hbm>> -> memref<1x16x128xi32, #tpu.memory_space<hbm>>
    %dma_start3A_259 = tpu.memref_squeeze %dma_start3A_258 : memref<1x16x128xi32, #tpu.memory_space<hbm>> -> memref<16x128xi32, #tpu.memory_space<hbm>>
    %dma_start3A_260 = arith.constant 0 : i32
    %dma_start3A_261 = arith.constant 0 : i32
    %dma_start3A_262 = tpu.memref_slice %arg19[%dma_start3A_252, %dma_start3A_260, %dma_start3A_261] : memref<2x16x128xi32, #tpu.memory_space<vmem>> -> memref<1x16x128xi32, #tpu.memory_space<vmem>>
    %dma_start3A_263 = tpu.memref_squeeze %dma_start3A_262 : memref<1x16x128xi32, #tpu.memory_space<vmem>> -> memref<16x128xi32, #tpu.memory_space<vmem>>
    %dma_start3A_264 = arith.constant 0 : i32
    %dma_start3A_265 = tpu.memref_slice %arg2[%select_n3A, %mul3A_32, %dma_start3A_264] : memref<8x64x1024xi32, #tpu.memory_space<hbm>> -> memref<1x16x128xi32, #tpu.memory_space<hbm>>
    %dma_start3A_266 = tpu.memref_squeeze %dma_start3A_265 : memref<1x16x128xi32, #tpu.memory_space<hbm>> -> memref<16x128xi32, #tpu.memory_space<hbm>>
    tpu.enqueue_dma source(%dma_start3A_266 : memref<16x128xi32, #tpu.memory_space<hbm>>) target(%dma_start3A_263 : memref<16x128xi32, #tpu.memory_space<vmem>>) target_semaphore(%arg23 : memref<!tpu.dma_semaphore, #tpu.memory_space<semaphore_mem>>)
    %dma_wait3A_267 = arith.constant 0 : i32
    %dma_wait3A_268 = arith.constant 0 : i32
    %dma_wait3A_269 = arith.constant 0 : i32
    %dma_wait3A_270 = tpu.memref_slice %arg19[%dma_wait3A_267, %dma_wait3A_268, %dma_wait3A_269] : memref<2x16x128xi32, #tpu.memory_space<vmem>> -> memref<1x16x128xi32, #tpu.memory_space<vmem>>
    %dma_wait3A_271 = tpu.memref_squeeze %dma_wait3A_270 : memref<1x16x128xi32, #tpu.memory_space<vmem>> -> memref<16x128xi32, #tpu.memory_space<vmem>>
    %dma_wait3A_272 = arith.constant 0 : i32
    %dma_wait3A_273 = tpu.memref_slice %arg2[%select_n3A, %mul3A_32, %dma_wait3A_272] : memref<8x64x1024xi32, #tpu.memory_space<hbm>> -> memref<1x16x128xi32, #tpu.memory_space<hbm>>
    %dma_wait3A_274 = tpu.memref_squeeze %dma_wait3A_273 : memref<1x16x128xi32, #tpu.memory_space<hbm>> -> memref<16x128xi32, #tpu.memory_space<hbm>>
    %dma_wait3A_275 = arith.constant 0 : i32
    %dma_wait3A_276 = arith.constant 0 : i32
    %dma_wait3A_277 = tpu.memref_slice %arg19[%dma_wait3A_267, %dma_wait3A_275, %dma_wait3A_276] : memref<2x16x128xi32, #tpu.memory_space<vmem>> -> memref<1x16x128xi32, #tpu.memory_space<vmem>>
    %dma_wait3A_278 = tpu.memref_squeeze %dma_wait3A_277 : memref<1x16x128xi32, #tpu.memory_space<vmem>> -> memref<16x128xi32, #tpu.memory_space<vmem>>
    %dma_wait3A_279 = arith.constant 0 : i32
    %dma_wait3A_280 = tpu.memref_slice %arg2[%select_n3A, %mul3A_32, %dma_wait3A_279] : memref<8x64x1024xi32, #tpu.memory_space<hbm>> -> memref<1x16x128xi32, #tpu.memory_space<hbm>>
    %dma_wait3A_281 = tpu.memref_squeeze %dma_wait3A_280 : memref<1x16x128xi32, #tpu.memory_space<hbm>> -> memref<16x128xi32, #tpu.memory_space<hbm>>
    tpu.wait_dma2 semaphore(%arg23 : memref<!tpu.dma_semaphore, #tpu.memory_space<semaphore_mem>>) src(%dma_wait3A_281 : memref<16x128xi32, #tpu.memory_space<hbm>>) dst(%dma_wait3A_278 : memref<16x128xi32, #tpu.memory_space<vmem>>)
    %scan3A = arith.constant 0 : i32
    %scan3A_282 = arith.constant 0 : i32
    %scan3A_283 = arith.constant 8 : i32
    %scan3A_284 = arith.addi %scan3A_282, %scan3A_283 : i32
    %scan3A_285 = arith.constant 1 : i32
    scf.for %scan3A_287 = %scan3A_282 to %scan3A_284 step %scan3A_285  : i32 {
      %mul3A_288 = arith.constant 128 : i32
      %mul3A_289 = arith.muli %scan3A_287, %mul3A_288 : i32
      %and3A_290 = arith.constant 1 : i32
      %and3A_291 = arith.andi %scan3A_287, %and3A_290 : i32
      %lt3A_292 = arith.constant 7 : i32
      %lt3A_293 = arith.cmpi slt, %scan3A_287, %lt3A_292 : i32
      %convert_element_type3A = arith.extui %lt3A_293 : i1 to i32
      %cond3A = arith.constant 0 : i32
      %cond3A_294 = arith.cmpi ne, %convert_element_type3A, %cond3A : i32
      scf.if %cond3A_294 {
        %add3A_399 = arith.constant 1 : i32
        %add3A_400 = arith.addi %scan3A_287, %add3A_399 : i32
        %sub3A_401 = arith.constant 1 : i32
        %sub3A_402 = arith.subi %sub3A_401, %and3A_291 : i32
        %mul3A_403 = arith.constant 128 : i32
        %mul3A_404 = arith.muli %add3A_400, %mul3A_403 : i32
        %dma_start3A_405 = arith.constant 0 : i32
        %dma_start3A_406 = arith.constant 0 : i32
        %dma_start3A_407 = tpu.memref_slice %arg19[%sub3A_402, %dma_start3A_405, %dma_start3A_406] : memref<2x16x128xi32, #tpu.memory_space<vmem>> -> memref<1x16x128xi32, #tpu.memory_space<vmem>>
        %dma_start3A_408 = tpu.memref_squeeze %dma_start3A_407 : memref<1x16x128xi32, #tpu.memory_space<vmem>> -> memref<16x128xi32, #tpu.memory_space<vmem>>
        %dma_start3A_409 = tpu.memref_slice %arg2[%select_n3A, %mul3A_32, %mul3A_404] : memref<8x64x1024xi32, #tpu.memory_space<hbm>> -> memref<1x16x128xi32, #tpu.memory_space<hbm>>
        %dma_start3A_410 = tpu.memref_squeeze %dma_start3A_409 : memref<1x16x128xi32, #tpu.memory_space<hbm>> -> memref<16x128xi32, #tpu.memory_space<hbm>>
        %dma_start3A_411 = arith.constant 0 : i32
        %dma_start3A_412 = arith.constant 0 : i32
        %dma_start3A_413 = tpu.memref_slice %arg19[%sub3A_402, %dma_start3A_411, %dma_start3A_412] : memref<2x16x128xi32, #tpu.memory_space<vmem>> -> memref<1x16x128xi32, #tpu.memory_space<vmem>>
        %dma_start3A_414 = tpu.memref_squeeze %dma_start3A_413 : memref<1x16x128xi32, #tpu.memory_space<vmem>> -> memref<16x128xi32, #tpu.memory_space<vmem>>
        %dma_start3A_415 = tpu.memref_slice %arg2[%select_n3A, %mul3A_32, %mul3A_404] : memref<8x64x1024xi32, #tpu.memory_space<hbm>> -> memref<1x16x128xi32, #tpu.memory_space<hbm>>
        %dma_start3A_416 = tpu.memref_squeeze %dma_start3A_415 : memref<1x16x128xi32, #tpu.memory_space<hbm>> -> memref<16x128xi32, #tpu.memory_space<hbm>>
        tpu.enqueue_dma source(%dma_start3A_416 : memref<16x128xi32, #tpu.memory_space<hbm>>) target(%dma_start3A_414 : memref<16x128xi32, #tpu.memory_space<vmem>>) target_semaphore(%arg23 : memref<!tpu.dma_semaphore, #tpu.memory_space<semaphore_mem>>)
      } else {
      }
      %add3A_295 = arith.constant 0 : i32
      %add3A_296 = arith.addi %mul3A_289, %add3A_295 : i32
      %add3A_297 = vector.broadcast %add3A_296 : i32 to vector<16xi32>
      %add3A_298 = arith.addi %add3A_297, %iota3A : vector<16xi32>
      %add3A_299 = arith.constant 16 : i32
      %add3A_300 = arith.addi %mul3A_289, %add3A_299 : i32
      %add3A_301 = vector.broadcast %add3A_300 : i32 to vector<16xi32>
      %add3A_302 = arith.addi %add3A_301, %iota3A : vector<16xi32>
      %add3A_303 = arith.constant 32 : i32
      %add3A_304 = arith.addi %mul3A_289, %add3A_303 : i32
      %add3A_305 = vector.broadcast %add3A_304 : i32 to vector<16xi32>
      %add3A_306 = arith.addi %add3A_305, %iota3A : vector<16xi32>
      %add3A_307 = arith.constant 48 : i32
      %add3A_308 = arith.addi %mul3A_289, %add3A_307 : i32
      %add3A_309 = vector.broadcast %add3A_308 : i32 to vector<16xi32>
      %add3A_310 = arith.addi %add3A_309, %iota3A : vector<16xi32>
      %add3A_311 = arith.constant 64 : i32
      %add3A_312 = arith.addi %mul3A_289, %add3A_311 : i32
      %add3A_313 = vector.broadcast %add3A_312 : i32 to vector<16xi32>
      %add3A_314 = arith.addi %add3A_313, %iota3A : vector<16xi32>
      %add3A_315 = arith.constant 80 : i32
      %add3A_316 = arith.addi %mul3A_289, %add3A_315 : i32
      %add3A_317 = vector.broadcast %add3A_316 : i32 to vector<16xi32>
      %add3A_318 = arith.addi %add3A_317, %iota3A : vector<16xi32>
      %add3A_319 = arith.constant 96 : i32
      %add3A_320 = arith.addi %mul3A_289, %add3A_319 : i32
      %add3A_321 = vector.broadcast %add3A_320 : i32 to vector<16xi32>
      %add3A_322 = arith.addi %add3A_321, %iota3A : vector<16xi32>
      %add3A_323 = arith.constant 112 : i32
      %add3A_324 = arith.addi %mul3A_289, %add3A_323 : i32
      %add3A_325 = vector.broadcast %add3A_324 : i32 to vector<16xi32>
      %add3A_326 = arith.addi %add3A_325, %iota3A : vector<16xi32>
      %parallel_loop3A_327 = arith.constant 0 : i32
      %parallel_loop3A_328 = arith.constant 64 : i32
      %parallel_loop3A_329 = arith.constant 1 : i32
      scf.for %parallel_loop3A_399 = %parallel_loop3A_327 to %parallel_loop3A_328 step %parallel_loop3A_329  : i32 {
        %parallel_loop3A_400 = vector.broadcast %parallel_loop3A_399 : i32 to vector<16xi32>
        %parallel_loop3A_401 = tpu.vector_load_idx %arg16[%add3A_298, %parallel_loop3A_400] : memref<1024x64xf32, #tpu.memory_space<vmem>>[vector<16xi32>, vector<16xi32>], vector<16xf32>,
        %parallel_loop3A_402 = arith.index_cast %parallel_loop3A_399 : i32 to index
        %parallel_loop3A_403 = arith.constant 0 : index
        %parallel_loop3A_404 = tpu.vector_load %arg18[%parallel_loop3A_402, %parallel_loop3A_403] {strides = array<i32>} : memref<64x128xf32, #tpu.memory_space<vmem>>, vector<16xf32>,
        tpu.vector_store %arg18[%parallel_loop3A_402, %parallel_loop3A_403], %parallel_loop3A_401 {strides = array<i32>} : memref<64x128xf32, #tpu.memory_space<vmem>>, vector<16xf32>,
        %parallel_loop3A_405 = tpu.vector_load_idx %arg16[%add3A_302, %parallel_loop3A_400] : memref<1024x64xf32, #tpu.memory_space<vmem>>[vector<16xi32>, vector<16xi32>], vector<16xf32>,
        %parallel_loop3A_406 = arith.index_cast %parallel_loop3A_399 : i32 to index
        %parallel_loop3A_407 = arith.constant 16 : index
        %parallel_loop3A_408 = tpu.vector_load %arg18[%parallel_loop3A_406, %parallel_loop3A_407] {strides = array<i32>} : memref<64x128xf32, #tpu.memory_space<vmem>>, vector<16xf32>,
        tpu.vector_store %arg18[%parallel_loop3A_406, %parallel_loop3A_407], %parallel_loop3A_405 {strides = array<i32>} : memref<64x128xf32, #tpu.memory_space<vmem>>, vector<16xf32>,
        %parallel_loop3A_409 = tpu.vector_load_idx %arg16[%add3A_306, %parallel_loop3A_400] : memref<1024x64xf32, #tpu.memory_space<vmem>>[vector<16xi32>, vector<16xi32>], vector<16xf32>,
        %parallel_loop3A_410 = arith.index_cast %parallel_loop3A_399 : i32 to index
        %parallel_loop3A_411 = arith.constant 32 : index
        %parallel_loop3A_412 = tpu.vector_load %arg18[%parallel_loop3A_410, %parallel_loop3A_411] {strides = array<i32>} : memref<64x128xf32, #tpu.memory_space<vmem>>, vector<16xf32>,
        tpu.vector_store %arg18[%parallel_loop3A_410, %parallel_loop3A_411], %parallel_loop3A_409 {strides = array<i32>} : memref<64x128xf32, #tpu.memory_space<vmem>>, vector<16xf32>,
        %parallel_loop3A_413 = tpu.vector_load_idx %arg16[%add3A_310, %parallel_loop3A_400] : memref<1024x64xf32, #tpu.memory_space<vmem>>[vector<16xi32>, vector<16xi32>], vector<16xf32>,
        %parallel_loop3A_414 = arith.index_cast %parallel_loop3A_399 : i32 to index
        %parallel_loop3A_415 = arith.constant 48 : index
        %parallel_loop3A_416 = tpu.vector_load %arg18[%parallel_loop3A_414, %parallel_loop3A_415] {strides = array<i32>} : memref<64x128xf32, #tpu.memory_space<vmem>>, vector<16xf32>,
        tpu.vector_store %arg18[%parallel_loop3A_414, %parallel_loop3A_415], %parallel_loop3A_413 {strides = array<i32>} : memref<64x128xf32, #tpu.memory_space<vmem>>, vector<16xf32>,
        %parallel_loop3A_417 = tpu.vector_load_idx %arg16[%add3A_314, %parallel_loop3A_400] : memref<1024x64xf32, #tpu.memory_space<vmem>>[vector<16xi32>, vector<16xi32>], vector<16xf32>,
        %parallel_loop3A_418 = arith.index_cast %parallel_loop3A_399 : i32 to index
        %parallel_loop3A_419 = arith.constant 64 : index
        %parallel_loop3A_420 = tpu.vector_load %arg18[%parallel_loop3A_418, %parallel_loop3A_419] {strides = array<i32>} : memref<64x128xf32, #tpu.memory_space<vmem>>, vector<16xf32>,
        tpu.vector_store %arg18[%parallel_loop3A_418, %parallel_loop3A_419], %parallel_loop3A_417 {strides = array<i32>} : memref<64x128xf32, #tpu.memory_space<vmem>>, vector<16xf32>,
        %parallel_loop3A_421 = tpu.vector_load_idx %arg16[%add3A_318, %parallel_loop3A_400] : memref<1024x64xf32, #tpu.memory_space<vmem>>[vector<16xi32>, vector<16xi32>], vector<16xf32>,
        %parallel_loop3A_422 = arith.index_cast %parallel_loop3A_399 : i32 to index
        %parallel_loop3A_423 = arith.constant 80 : index
        %parallel_loop3A_424 = tpu.vector_load %arg18[%parallel_loop3A_422, %parallel_loop3A_423] {strides = array<i32>} : memref<64x128xf32, #tpu.memory_space<vmem>>, vector<16xf32>,
        tpu.vector_store %arg18[%parallel_loop3A_422, %parallel_loop3A_423], %parallel_loop3A_421 {strides = array<i32>} : memref<64x128xf32, #tpu.memory_space<vmem>>, vector<16xf32>,
        %parallel_loop3A_425 = tpu.vector_load_idx %arg16[%add3A_322, %parallel_loop3A_400] : memref<1024x64xf32, #tpu.memory_space<vmem>>[vector<16xi32>, vector<16xi32>], vector<16xf32>,
        %parallel_loop3A_426 = arith.index_cast %parallel_loop3A_399 : i32 to index
        %parallel_loop3A_427 = arith.constant 96 : index
        %parallel_loop3A_428 = tpu.vector_load %arg18[%parallel_loop3A_426, %parallel_loop3A_427] {strides = array<i32>} : memref<64x128xf32, #tpu.memory_space<vmem>>, vector<16xf32>,
        tpu.vector_store %arg18[%parallel_loop3A_426, %parallel_loop3A_427], %parallel_loop3A_425 {strides = array<i32>} : memref<64x128xf32, #tpu.memory_space<vmem>>, vector<16xf32>,
        %parallel_loop3A_429 = tpu.vector_load_idx %arg16[%add3A_326, %parallel_loop3A_400] : memref<1024x64xf32, #tpu.memory_space<vmem>>[vector<16xi32>, vector<16xi32>], vector<16xf32>,
        %parallel_loop3A_430 = arith.index_cast %parallel_loop3A_399 : i32 to index
        %parallel_loop3A_431 = arith.constant 112 : index
        %parallel_loop3A_432 = tpu.vector_load %arg18[%parallel_loop3A_430, %parallel_loop3A_431] {strides = array<i32>} : memref<64x128xf32, #tpu.memory_space<vmem>>, vector<16xf32>,
        tpu.vector_store %arg18[%parallel_loop3A_430, %parallel_loop3A_431], %parallel_loop3A_429 {strides = array<i32>} : memref<64x128xf32, #tpu.memory_space<vmem>>, vector<16xf32>,
      } {sc.loop_unroll_factor = 2 : i64, sc.parallel_access}
      %scan3A_330 = arith.constant 0 : i32
      %scan3A_331 = arith.constant 0 : i32
      %scan3A_332 = arith.constant 16 : i32
      %scan3A_333 = arith.addi %scan3A_331, %scan3A_332 : i32
      %scan3A_334 = arith.constant 1 : i32
      scf.for %scan3A_399 = %scan3A_331 to %scan3A_333 step %scan3A_334  : i32 {
        %add3A_400 = arith.addi %mul3A_32, %scan3A_399 : i32
        %and3A_401 = arith.constant 1 : i32
        %and3A_402 = arith.andi %scan3A_399, %and3A_401 : i32
        %get3A_403 = arith.index_cast %and3A_291 : i32 to index
        %get3A_404 = arith.index_cast %scan3A_399 : i32 to index
        %get3A_405 = arith.constant 0 : index
        %get3A_406 = tpu.vector_load %arg19[%get3A_403, %get3A_404, %get3A_405] {strides = array<i32>} : memref<2x16x128xi32, #tpu.memory_space<vmem>>, vector<16xi32>,
        %get3A_407 = arith.index_cast %and3A_291 : i32 to index
        %get3A_408 = arith.index_cast %scan3A_399 : i32 to index
        %get3A_409 = arith.constant 16 : index
        %get3A_410 = tpu.vector_load %arg19[%get3A_407, %get3A_408, %get3A_409] {strides = array<i32>} : memref<2x16x128xi32, #tpu.memory_space<vmem>>, vector<16xi32>,
        %get3A_411 = arith.index_cast %and3A_291 : i32 to index
        %get3A_412 = arith.index_cast %scan3A_399 : i32 to index
        %get3A_413 = arith.constant 32 : index
        %get3A_414 = tpu.vector_load %arg19[%get3A_411, %get3A_412, %get3A_413] {strides = array<i32>} : memref<2x16x128xi32, #tpu.memory_space<vmem>>, vector<16xi32>,
        %get3A_415 = arith.index_cast %and3A_291 : i32 to index
        %get3A_416 = arith.index_cast %scan3A_399 : i32 to index
        %get3A_417 = arith.constant 48 : index
        %get3A_418 = tpu.vector_load %arg19[%get3A_415, %get3A_416, %get3A_417] {strides = array<i32>} : memref<2x16x128xi32, #tpu.memory_space<vmem>>, vector<16xi32>,
        %get3A_419 = arith.index_cast %and3A_291 : i32 to index
        %get3A_420 = arith.index_cast %scan3A_399 : i32 to index
        %get3A_421 = arith.constant 64 : index
        %get3A_422 = tpu.vector_load %arg19[%get3A_419, %get3A_420, %get3A_421] {strides = array<i32>} : memref<2x16x128xi32, #tpu.memory_space<vmem>>, vector<16xi32>,
        %get3A_423 = arith.index_cast %and3A_291 : i32 to index
        %get3A_424 = arith.index_cast %scan3A_399 : i32 to index
        %get3A_425 = arith.constant 80 : index
        %get3A_426 = tpu.vector_load %arg19[%get3A_423, %get3A_424, %get3A_425] {strides = array<i32>} : memref<2x16x128xi32, #tpu.memory_space<vmem>>, vector<16xi32>,
        %get3A_427 = arith.index_cast %and3A_291 : i32 to index
        %get3A_428 = arith.index_cast %scan3A_399 : i32 to index
        %get3A_429 = arith.constant 96 : index
        %get3A_430 = tpu.vector_load %arg19[%get3A_427, %get3A_428, %get3A_429] {strides = array<i32>} : memref<2x16x128xi32, #tpu.memory_space<vmem>>, vector<16xi32>,
        %get3A_431 = arith.index_cast %and3A_291 : i32 to index
        %get3A_432 = arith.index_cast %scan3A_399 : i32 to index
        %get3A_433 = arith.constant 112 : index
        %get3A_434 = tpu.vector_load %arg19[%get3A_431, %get3A_432, %get3A_433] {strides = array<i32>} : memref<2x16x128xi32, #tpu.memory_space<vmem>>, vector<16xi32>,
        %ge3A = arith.constant 2 : i32
        %ge3A_435 = arith.cmpi sge, %scan3A_399, %ge3A : i32
        %convert_element_type3A_436 = arith.extui %ge3A_435 : i1 to i32
        %cond3A_437 = arith.constant 0 : i32
        %cond3A_438 = arith.cmpi ne, %convert_element_type3A_436, %cond3A_437 : i32
        scf.if %cond3A_438 {
          %sub3A_472 = arith.constant 2 : i32
          %sub3A_473 = arith.subi %scan3A_399, %sub3A_472 : i32
          %and3A_474 = arith.constant 1 : i32
          %and3A_475 = arith.andi %sub3A_473, %and3A_474 : i32
          %mul3A_476 = arith.constant 64 : i32
          %mul3A_477 = arith.muli %select_n3A, %mul3A_476 : i32
          %add3A_478 = arith.addi %mul3A_477, %mul3A_32 : i32
          %add3A_479 = arith.addi %add3A_478, %sub3A_473 : i32
          %and3A_480 = arith.constant 1 : i32
          %and3A_481 = arith.andi %sub3A_473, %and3A_480 : i32
          %dma_wait3A_482 = arith.constant 0 : i32
          %dma_wait3A_483 = arith.constant 0 : i32
          %dma_wait3A_484 = arith.constant 0 : i32
          %dma_wait3A_485 = tpu.memref_slice %arg20[%and3A_475, %dma_wait3A_482, %dma_wait3A_483, %dma_wait3A_484] : memref<2x8x8x128xf32, #tpu.memory_space<vmem>> -> memref<1x8x8x128xf32, #tpu.memory_space<vmem>>
          %dma_wait3A_486 = tpu.memref_squeeze %dma_wait3A_485 : memref<1x8x8x128xf32, #tpu.memory_space<vmem>> -> memref<8x8x128xf32, #tpu.memory_space<vmem>>
          %dma_wait3A_487 = arith.constant 0 : i32
          %dma_wait3A_488 = arith.constant 0 : i32
          %dma_wait3A_489 = arith.constant 0 : i32
          %dma_wait3A_490 = tpu.memref_slice %arg10[%add3A_479, %dma_wait3A_487, %scan3A_287, %dma_wait3A_488, %dma_wait3A_489] : memref<512x8x8x8x128xf32, #tpu.memory_space<hbm>> -> memref<1x8x1x8x128xf32, #tpu.memory_space<hbm>>
          %dma_wait3A_491 = tpu.memref_squeeze %dma_wait3A_490 : memref<1x8x1x8x128xf32, #tpu.memory_space<hbm>> -> memref<8x8x128xf32, #tpu.memory_space<hbm>>
          %dma_wait3A_492 = tpu.memref_slice %arg22[%and3A_481] : memref<2x!tpu.dma_semaphore, #tpu.memory_space<semaphore_mem>> -> memref<1x!tpu.dma_semaphore, #tpu.memory_space<semaphore_mem>>
          %dma_wait3A_493 = tpu.memref_squeeze %dma_wait3A_492 : memref<1x!tpu.dma_semaphore, #tpu.memory_space<semaphore_mem>> -> memref<!tpu.dma_semaphore, #tpu.memory_space<semaphore_mem>>
          %dma_wait3A_494 = arith.constant 0 : i32
          %dma_wait3A_495 = arith.constant 0 : i32
          %dma_wait3A_496 = arith.constant 0 : i32
          %dma_wait3A_497 = tpu.memref_slice %arg10[%add3A_479, %dma_wait3A_494, %scan3A_287, %dma_wait3A_495, %dma_wait3A_496] : memref<512x8x8x8x128xf32, #tpu.memory_space<hbm>> -> memref<1x8x1x8x128xf32, #tpu.memory_space<hbm>>
          %dma_wait3A_498 = tpu.memref_squeeze %dma_wait3A_497 : memref<1x8x1x8x128xf32, #tpu.memory_space<hbm>> -> memref<8x8x128xf32, #tpu.memory_space<hbm>>
          %dma_wait3A_499 = arith.constant 0 : i32
          %dma_wait3A_500 = arith.constant 0 : i32
          %dma_wait3A_501 = arith.constant 0 : i32
          %dma_wait3A_502 = tpu.memref_slice %arg20[%and3A_475, %dma_wait3A_499, %dma_wait3A_500, %dma_wait3A_501] : memref<2x8x8x128xf32, #tpu.memory_space<vmem>> -> memref<1x8x8x128xf32, #tpu.memory_space<vmem>>
          %dma_wait3A_503 = tpu.memref_squeeze %dma_wait3A_502 : memref<1x8x8x128xf32, #tpu.memory_space<vmem>> -> memref<8x8x128xf32, #tpu.memory_space<vmem>>
          tpu.wait_dma2 semaphore(%dma_wait3A_493 : memref<!tpu.dma_semaphore, #tpu.memory_space<semaphore_mem>>) src(%dma_wait3A_503 : memref<8x8x128xf32, #tpu.memory_space<vmem>>) dst(%dma_wait3A_498 : memref<8x8x128xf32, #tpu.memory_space<hbm>>)
        } else {
        }
        %parallel_loop3A_439 = arith.constant 0 : i32
        %parallel_loop3A_440 = arith.constant 64 : i32
        %parallel_loop3A_441 = arith.constant 1 : i32
        scf.for %parallel_loop3A_472 = %parallel_loop3A_439 to %parallel_loop3A_440 step %parallel_loop3A_441  : i32 {
          %parallel_loop3A_473 = vector.broadcast %parallel_loop3A_472 : i32 to vector<16xi32>
          %parallel_loop3A_474 = vector.broadcast %add3A_400 : i32 to vector<16xi32>
          %parallel_loop3A_475 = tpu.vector_load_idx %arg13[%parallel_loop3A_474, %parallel_loop3A_473] : memref<64x64xf32, #tpu.memory_space<vmem>>[vector<16xi32>, vector<16xi32>], vector<16xf32>,
          %parallel_loop3A_476 = arith.constant 0 : i32
          %parallel_loop3A_477 = tpu.memref_slice %arg17[%parallel_loop3A_472, %parallel_loop3A_476] : memref<64x256xf32, #tpu.memory_space<vmem>> -> memref<1x256xf32, #tpu.memory_space<vmem>>
          %parallel_loop3A_478 = tpu.memref_squeeze %parallel_loop3A_477 : memref<1x256xf32, #tpu.memory_space<vmem>> -> memref<256xf32, #tpu.memory_space<vmem>>
          %parallel_loop3A_479 = tpu.vector_load_idx %parallel_loop3A_478[%get3A_406] : memref<256xf32, #tpu.memory_space<vmem>>[vector<16xi32>], vector<16xf32>,
          %parallel_loop3A_480 = arith.index_cast %parallel_loop3A_472 : i32 to index
          %parallel_loop3A_481 = arith.constant 0 : index
          %parallel_loop3A_482 = tpu.vector_load %arg18[%parallel_loop3A_480, %parallel_loop3A_481] {strides = array<i32>} : memref<64x128xf32, #tpu.memory_space<vmem>>, vector<16xf32>,
          %parallel_loop3A_483 = arith.addf %parallel_loop3A_479, %parallel_loop3A_482 : vector<16xf32>
          %parallel_loop3A_484 = arith.addf %parallel_loop3A_483, %parallel_loop3A_475 : vector<16xf32>
          %parallel_loop3A_485 = arith.constant 3 : i32
          %parallel_loop3A_486 = arith.shrsi %parallel_loop3A_472, %parallel_loop3A_485 : i32
          %parallel_loop3A_487 = arith.constant 7 : i32
          %parallel_loop3A_488 = arith.andi %parallel_loop3A_472, %parallel_loop3A_487 : i32
          %parallel_loop3A_489 = arith.index_cast %and3A_402 : i32 to index
          %parallel_loop3A_490 = arith.index_cast %parallel_loop3A_486 : i32 to index
          %parallel_loop3A_491 = arith.index_cast %parallel_loop3A_488 : i32 to index
          %parallel_loop3A_492 = arith.constant 0 : index
          %parallel_loop3A_493 = tpu.vector_load %arg20[%parallel_loop3A_489, %parallel_loop3A_490, %parallel_loop3A_491, %parallel_loop3A_492] {strides = array<i32>} : memref<2x8x8x128xf32, #tpu.memory_space<vmem>>, vector<16xf32>,
          tpu.vector_store %arg20[%parallel_loop3A_489, %parallel_loop3A_490, %parallel_loop3A_491, %parallel_loop3A_492], %parallel_loop3A_484 {strides = array<i32>} : memref<2x8x8x128xf32, #tpu.memory_space<vmem>>, vector<16xf32>,
          %parallel_loop3A_494 = arith.constant 0 : i32
          %parallel_loop3A_495 = tpu.memref_slice %arg17[%parallel_loop3A_472, %parallel_loop3A_494] : memref<64x256xf32, #tpu.memory_space<vmem>> -> memref<1x256xf32, #tpu.memory_space<vmem>>
          %parallel_loop3A_496 = tpu.memref_squeeze %parallel_loop3A_495 : memref<1x256xf32, #tpu.memory_space<vmem>> -> memref<256xf32, #tpu.memory_space<vmem>>
          %parallel_loop3A_497 = tpu.vector_load_idx %parallel_loop3A_496[%get3A_410] : memref<256xf32, #tpu.memory_space<vmem>>[vector<16xi32>], vector<16xf32>,
          %parallel_loop3A_498 = arith.index_cast %parallel_loop3A_472 : i32 to index
          %parallel_loop3A_499 = arith.constant 16 : index
          %parallel_loop3A_500 = tpu.vector_load %arg18[%parallel_loop3A_498, %parallel_loop3A_499] {strides = array<i32>} : memref<64x128xf32, #tpu.memory_space<vmem>>, vector<16xf32>,
          %parallel_loop3A_501 = arith.addf %parallel_loop3A_497, %parallel_loop3A_500 : vector<16xf32>
          %parallel_loop3A_502 = arith.addf %parallel_loop3A_501, %parallel_loop3A_475 : vector<16xf32>
          %parallel_loop3A_503 = arith.constant 3 : i32
          %parallel_loop3A_504 = arith.shrsi %parallel_loop3A_472, %parallel_loop3A_503 : i32
          %parallel_loop3A_505 = arith.constant 7 : i32
          %parallel_loop3A_506 = arith.andi %parallel_loop3A_472, %parallel_loop3A_505 : i32
          %parallel_loop3A_507 = arith.index_cast %and3A_402 : i32 to index
          %parallel_loop3A_508 = arith.index_cast %parallel_loop3A_504 : i32 to index
          %parallel_loop3A_509 = arith.index_cast %parallel_loop3A_506 : i32 to index
          %parallel_loop3A_510 = arith.constant 16 : index
          %parallel_loop3A_511 = tpu.vector_load %arg20[%parallel_loop3A_507, %parallel_loop3A_508, %parallel_loop3A_509, %parallel_loop3A_510] {strides = array<i32>} : memref<2x8x8x128xf32, #tpu.memory_space<vmem>>, vector<16xf32>,
          tpu.vector_store %arg20[%parallel_loop3A_507, %parallel_loop3A_508, %parallel_loop3A_509, %parallel_loop3A_510], %parallel_loop3A_502 {strides = array<i32>} : memref<2x8x8x128xf32, #tpu.memory_space<vmem>>, vector<16xf32>,
          %parallel_loop3A_512 = arith.constant 0 : i32
          %parallel_loop3A_513 = tpu.memref_slice %arg17[%parallel_loop3A_472, %parallel_loop3A_512] : memref<64x256xf32, #tpu.memory_space<vmem>> -> memref<1x256xf32, #tpu.memory_space<vmem>>
          %parallel_loop3A_514 = tpu.memref_squeeze %parallel_loop3A_513 : memref<1x256xf32, #tpu.memory_space<vmem>> -> memref<256xf32, #tpu.memory_space<vmem>>
          %parallel_loop3A_515 = tpu.vector_load_idx %parallel_loop3A_514[%get3A_414] : memref<256xf32, #tpu.memory_space<vmem>>[vector<16xi32>], vector<16xf32>,
          %parallel_loop3A_516 = arith.index_cast %parallel_loop3A_472 : i32 to index
          %parallel_loop3A_517 = arith.constant 32 : index
          %parallel_loop3A_518 = tpu.vector_load %arg18[%parallel_loop3A_516, %parallel_loop3A_517] {strides = array<i32>} : memref<64x128xf32, #tpu.memory_space<vmem>>, vector<16xf32>,
          %parallel_loop3A_519 = arith.addf %parallel_loop3A_515, %parallel_loop3A_518 : vector<16xf32>
          %parallel_loop3A_520 = arith.addf %parallel_loop3A_519, %parallel_loop3A_475 : vector<16xf32>
          %parallel_loop3A_521 = arith.constant 3 : i32
          %parallel_loop3A_522 = arith.shrsi %parallel_loop3A_472, %parallel_loop3A_521 : i32
          %parallel_loop3A_523 = arith.constant 7 : i32
          %parallel_loop3A_524 = arith.andi %parallel_loop3A_472, %parallel_loop3A_523 : i32
          %parallel_loop3A_525 = arith.index_cast %and3A_402 : i32 to index
          %parallel_loop3A_526 = arith.index_cast %parallel_loop3A_522 : i32 to index
          %parallel_loop3A_527 = arith.index_cast %parallel_loop3A_524 : i32 to index
          %parallel_loop3A_528 = arith.constant 32 : index
          %parallel_loop3A_529 = tpu.vector_load %arg20[%parallel_loop3A_525, %parallel_loop3A_526, %parallel_loop3A_527, %parallel_loop3A_528] {strides = array<i32>} : memref<2x8x8x128xf32, #tpu.memory_space<vmem>>, vector<16xf32>,
          tpu.vector_store %arg20[%parallel_loop3A_525, %parallel_loop3A_526, %parallel_loop3A_527, %parallel_loop3A_528], %parallel_loop3A_520 {strides = array<i32>} : memref<2x8x8x128xf32, #tpu.memory_space<vmem>>, vector<16xf32>,
          %parallel_loop3A_530 = arith.constant 0 : i32
          %parallel_loop3A_531 = tpu.memref_slice %arg17[%parallel_loop3A_472, %parallel_loop3A_530] : memref<64x256xf32, #tpu.memory_space<vmem>> -> memref<1x256xf32, #tpu.memory_space<vmem>>
          %parallel_loop3A_532 = tpu.memref_squeeze %parallel_loop3A_531 : memref<1x256xf32, #tpu.memory_space<vmem>> -> memref<256xf32, #tpu.memory_space<vmem>>
          %parallel_loop3A_533 = tpu.vector_load_idx %parallel_loop3A_532[%get3A_418] : memref<256xf32, #tpu.memory_space<vmem>>[vector<16xi32>], vector<16xf32>,
          %parallel_loop3A_534 = arith.index_cast %parallel_loop3A_472 : i32 to index
          %parallel_loop3A_535 = arith.constant 48 : index
          %parallel_loop3A_536 = tpu.vector_load %arg18[%parallel_loop3A_534, %parallel_loop3A_535] {strides = array<i32>} : memref<64x128xf32, #tpu.memory_space<vmem>>, vector<16xf32>,
          %parallel_loop3A_537 = arith.addf %parallel_loop3A_533, %parallel_loop3A_536 : vector<16xf32>
          %parallel_loop3A_538 = arith.addf %parallel_loop3A_537, %parallel_loop3A_475 : vector<16xf32>
          %parallel_loop3A_539 = arith.constant 3 : i32
          %parallel_loop3A_540 = arith.shrsi %parallel_loop3A_472, %parallel_loop3A_539 : i32
          %parallel_loop3A_541 = arith.constant 7 : i32
          %parallel_loop3A_542 = arith.andi %parallel_loop3A_472, %parallel_loop3A_541 : i32
          %parallel_loop3A_543 = arith.index_cast %and3A_402 : i32 to index
          %parallel_loop3A_544 = arith.index_cast %parallel_loop3A_540 : i32 to index
          %parallel_loop3A_545 = arith.index_cast %parallel_loop3A_542 : i32 to index
          %parallel_loop3A_546 = arith.constant 48 : index
          %parallel_loop3A_547 = tpu.vector_load %arg20[%parallel_loop3A_543, %parallel_loop3A_544, %parallel_loop3A_545, %parallel_loop3A_546] {strides = array<i32>} : memref<2x8x8x128xf32, #tpu.memory_space<vmem>>, vector<16xf32>,
          tpu.vector_store %arg20[%parallel_loop3A_543, %parallel_loop3A_544, %parallel_loop3A_545, %parallel_loop3A_546], %parallel_loop3A_538 {strides = array<i32>} : memref<2x8x8x128xf32, #tpu.memory_space<vmem>>, vector<16xf32>,
          %parallel_loop3A_548 = arith.constant 0 : i32
          %parallel_loop3A_549 = tpu.memref_slice %arg17[%parallel_loop3A_472, %parallel_loop3A_548] : memref<64x256xf32, #tpu.memory_space<vmem>> -> memref<1x256xf32, #tpu.memory_space<vmem>>
          %parallel_loop3A_550 = tpu.memref_squeeze %parallel_loop3A_549 : memref<1x256xf32, #tpu.memory_space<vmem>> -> memref<256xf32, #tpu.memory_space<vmem>>
          %parallel_loop3A_551 = tpu.vector_load_idx %parallel_loop3A_550[%get3A_422] : memref<256xf32, #tpu.memory_space<vmem>>[vector<16xi32>], vector<16xf32>,
          %parallel_loop3A_552 = arith.index_cast %parallel_loop3A_472 : i32 to index
          %parallel_loop3A_553 = arith.constant 64 : index
          %parallel_loop3A_554 = tpu.vector_load %arg18[%parallel_loop3A_552, %parallel_loop3A_553] {strides = array<i32>} : memref<64x128xf32, #tpu.memory_space<vmem>>, vector<16xf32>,
          %parallel_loop3A_555 = arith.addf %parallel_loop3A_551, %parallel_loop3A_554 : vector<16xf32>
          %parallel_loop3A_556 = arith.addf %parallel_loop3A_555, %parallel_loop3A_475 : vector<16xf32>
          %parallel_loop3A_557 = arith.constant 3 : i32
          %parallel_loop3A_558 = arith.shrsi %parallel_loop3A_472, %parallel_loop3A_557 : i32
          %parallel_loop3A_559 = arith.constant 7 : i32
          %parallel_loop3A_560 = arith.andi %parallel_loop3A_472, %parallel_loop3A_559 : i32
          %parallel_loop3A_561 = arith.index_cast %and3A_402 : i32 to index
          %parallel_loop3A_562 = arith.index_cast %parallel_loop3A_558 : i32 to index
          %parallel_loop3A_563 = arith.index_cast %parallel_loop3A_560 : i32 to index
          %parallel_loop3A_564 = arith.constant 64 : index
          %parallel_loop3A_565 = tpu.vector_load %arg20[%parallel_loop3A_561, %parallel_loop3A_562, %parallel_loop3A_563, %parallel_loop3A_564] {strides = array<i32>} : memref<2x8x8x128xf32, #tpu.memory_space<vmem>>, vector<16xf32>,
          tpu.vector_store %arg20[%parallel_loop3A_561, %parallel_loop3A_562, %parallel_loop3A_563, %parallel_loop3A_564], %parallel_loop3A_556 {strides = array<i32>} : memref<2x8x8x128xf32, #tpu.memory_space<vmem>>, vector<16xf32>,
          %parallel_loop3A_566 = arith.constant 0 : i32
          %parallel_loop3A_567 = tpu.memref_slice %arg17[%parallel_loop3A_472, %parallel_loop3A_566] : memref<64x256xf32, #tpu.memory_space<vmem>> -> memref<1x256xf32, #tpu.memory_space<vmem>>
          %parallel_loop3A_568 = tpu.memref_squeeze %parallel_loop3A_567 : memref<1x256xf32, #tpu.memory_space<vmem>> -> memref<256xf32, #tpu.memory_space<vmem>>
          %parallel_loop3A_569 = tpu.vector_load_idx %parallel_loop3A_568[%get3A_426] : memref<256xf32, #tpu.memory_space<vmem>>[vector<16xi32>], vector<16xf32>,
          %parallel_loop3A_570 = arith.index_cast %parallel_loop3A_472 : i32 to index
          %parallel_loop3A_571 = arith.constant 80 : index
          %parallel_loop3A_572 = tpu.vector_load %arg18[%parallel_loop3A_570, %parallel_loop3A_571] {strides = array<i32>} : memref<64x128xf32, #tpu.memory_space<vmem>>, vector<16xf32>,
          %parallel_loop3A_573 = arith.addf %parallel_loop3A_569, %parallel_loop3A_572 : vector<16xf32>
          %parallel_loop3A_574 = arith.addf %parallel_loop3A_573, %parallel_loop3A_475 : vector<16xf32>
          %parallel_loop3A_575 = arith.constant 3 : i32
          %parallel_loop3A_576 = arith.shrsi %parallel_loop3A_472, %parallel_loop3A_575 : i32
          %parallel_loop3A_577 = arith.constant 7 : i32
          %parallel_loop3A_578 = arith.andi %parallel_loop3A_472, %parallel_loop3A_577 : i32
          %parallel_loop3A_579 = arith.index_cast %and3A_402 : i32 to index
          %parallel_loop3A_580 = arith.index_cast %parallel_loop3A_576 : i32 to index
          %parallel_loop3A_581 = arith.index_cast %parallel_loop3A_578 : i32 to index
          %parallel_loop3A_582 = arith.constant 80 : index
          %parallel_loop3A_583 = tpu.vector_load %arg20[%parallel_loop3A_579, %parallel_loop3A_580, %parallel_loop3A_581, %parallel_loop3A_582] {strides = array<i32>} : memref<2x8x8x128xf32, #tpu.memory_space<vmem>>, vector<16xf32>,
          tpu.vector_store %arg20[%parallel_loop3A_579, %parallel_loop3A_580, %parallel_loop3A_581, %parallel_loop3A_582], %parallel_loop3A_574 {strides = array<i32>} : memref<2x8x8x128xf32, #tpu.memory_space<vmem>>, vector<16xf32>,
          %parallel_loop3A_584 = arith.constant 0 : i32
          %parallel_loop3A_585 = tpu.memref_slice %arg17[%parallel_loop3A_472, %parallel_loop3A_584] : memref<64x256xf32, #tpu.memory_space<vmem>> -> memref<1x256xf32, #tpu.memory_space<vmem>>
          %parallel_loop3A_586 = tpu.memref_squeeze %parallel_loop3A_585 : memref<1x256xf32, #tpu.memory_space<vmem>> -> memref<256xf32, #tpu.memory_space<vmem>>
          %parallel_loop3A_587 = tpu.vector_load_idx %parallel_loop3A_586[%get3A_430] : memref<256xf32, #tpu.memory_space<vmem>>[vector<16xi32>], vector<16xf32>,
          %parallel_loop3A_588 = arith.index_cast %parallel_loop3A_472 : i32 to index
          %parallel_loop3A_589 = arith.constant 96 : index
          %parallel_loop3A_590 = tpu.vector_load %arg18[%parallel_loop3A_588, %parallel_loop3A_589] {strides = array<i32>} : memref<64x128xf32, #tpu.memory_space<vmem>>, vector<16xf32>,
          %parallel_loop3A_591 = arith.addf %parallel_loop3A_587, %parallel_loop3A_590 : vector<16xf32>
          %parallel_loop3A_592 = arith.addf %parallel_loop3A_591, %parallel_loop3A_475 : vector<16xf32>
          %parallel_loop3A_593 = arith.constant 3 : i32
          %parallel_loop3A_594 = arith.shrsi %parallel_loop3A_472, %parallel_loop3A_593 : i32
          %parallel_loop3A_595 = arith.constant 7 : i32
          %parallel_loop3A_596 = arith.andi %parallel_loop3A_472, %parallel_loop3A_595 : i32
          %parallel_loop3A_597 = arith.index_cast %and3A_402 : i32 to index
          %parallel_loop3A_598 = arith.index_cast %parallel_loop3A_594 : i32 to index
          %parallel_loop3A_599 = arith.index_cast %parallel_loop3A_596 : i32 to index
          %parallel_loop3A_600 = arith.constant 96 : index
          %parallel_loop3A_601 = tpu.vector_load %arg20[%parallel_loop3A_597, %parallel_loop3A_598, %parallel_loop3A_599, %parallel_loop3A_600] {strides = array<i32>} : memref<2x8x8x128xf32, #tpu.memory_space<vmem>>, vector<16xf32>,
          tpu.vector_store %arg20[%parallel_loop3A_597, %parallel_loop3A_598, %parallel_loop3A_599, %parallel_loop3A_600], %parallel_loop3A_592 {strides = array<i32>} : memref<2x8x8x128xf32, #tpu.memory_space<vmem>>, vector<16xf32>,
          %parallel_loop3A_602 = arith.constant 0 : i32
          %parallel_loop3A_603 = tpu.memref_slice %arg17[%parallel_loop3A_472, %parallel_loop3A_602] : memref<64x256xf32, #tpu.memory_space<vmem>> -> memref<1x256xf32, #tpu.memory_space<vmem>>
          %parallel_loop3A_604 = tpu.memref_squeeze %parallel_loop3A_603 : memref<1x256xf32, #tpu.memory_space<vmem>> -> memref<256xf32, #tpu.memory_space<vmem>>
          %parallel_loop3A_605 = tpu.vector_load_idx %parallel_loop3A_604[%get3A_434] : memref<256xf32, #tpu.memory_space<vmem>>[vector<16xi32>], vector<16xf32>,
          %parallel_loop3A_606 = arith.index_cast %parallel_loop3A_472 : i32 to index
          %parallel_loop3A_607 = arith.constant 112 : index
          %parallel_loop3A_608 = tpu.vector_load %arg18[%parallel_loop3A_606, %parallel_loop3A_607] {strides = array<i32>} : memref<64x128xf32, #tpu.memory_space<vmem>>, vector<16xf32>,
          %parallel_loop3A_609 = arith.addf %parallel_loop3A_605, %parallel_loop3A_608 : vector<16xf32>
          %parallel_loop3A_610 = arith.addf %parallel_loop3A_609, %parallel_loop3A_475 : vector<16xf32>
          %parallel_loop3A_611 = arith.constant 3 : i32
          %parallel_loop3A_612 = arith.shrsi %parallel_loop3A_472, %parallel_loop3A_611 : i32
          %parallel_loop3A_613 = arith.constant 7 : i32
          %parallel_loop3A_614 = arith.andi %parallel_loop3A_472, %parallel_loop3A_613 : i32
          %parallel_loop3A_615 = arith.index_cast %and3A_402 : i32 to index
          %parallel_loop3A_616 = arith.index_cast %parallel_loop3A_612 : i32 to index
          %parallel_loop3A_617 = arith.index_cast %parallel_loop3A_614 : i32 to index
          %parallel_loop3A_618 = arith.constant 112 : index
          %parallel_loop3A_619 = tpu.vector_load %arg20[%parallel_loop3A_615, %parallel_loop3A_616, %parallel_loop3A_617, %parallel_loop3A_618] {strides = array<i32>} : memref<2x8x8x128xf32, #tpu.memory_space<vmem>>, vector<16xf32>,
          tpu.vector_store %arg20[%parallel_loop3A_615, %parallel_loop3A_616, %parallel_loop3A_617, %parallel_loop3A_618], %parallel_loop3A_610 {strides = array<i32>} : memref<2x8x8x128xf32, #tpu.memory_space<vmem>>, vector<16xf32>,
        } {sc.loop_unroll_factor = 2 : i64, sc.parallel_access}
        %and3A_442 = arith.constant 1 : i32
        %and3A_443 = arith.andi %scan3A_399, %and3A_442 : i32
        %mul3A_444 = arith.constant 64 : i32
        %mul3A_445 = arith.muli %select_n3A, %mul3A_444 : i32
        %add3A_446 = arith.addi %mul3A_445, %mul3A_32 : i32
        %add3A_447 = arith.addi %add3A_446, %scan3A_399 : i32
        %and3A_448 = arith.constant 1 : i32
        %and3A_449 = arith.andi %scan3A_399, %and3A_448 : i32
        %dma_start3A_450 = arith.constant 0 : i32
        %dma_start3A_451 = arith.constant 0 : i32
        %dma_start3A_452 = arith.constant 0 : i32
        %dma_start3A_453 = tpu.memref_slice %arg20[%and3A_443, %dma_start3A_450, %dma_start3A_451, %dma_start3A_452] : memref<2x8x8x128xf32, #tpu.memory_space<vmem>> -> memref<1x8x8x128xf32, #tpu.memory_space<vmem>>
        %dma_start3A_454 = tpu.memref_squeeze %dma_start3A_453 : memref<1x8x8x128xf32, #tpu.memory_space<vmem>> -> memref<8x8x128xf32, #tpu.memory_space<vmem>>
        %dma_start3A_455 = arith.constant 0 : i32
        %dma_start3A_456 = arith.constant 0 : i32
        %dma_start3A_457 = arith.constant 0 : i32
        %dma_start3A_458 = tpu.memref_slice %arg10[%add3A_447, %dma_start3A_455, %scan3A_287, %dma_start3A_456, %dma_start3A_457] : memref<512x8x8x8x128xf32, #tpu.memory_space<hbm>> -> memref<1x8x1x8x128xf32, #tpu.memory_space<hbm>>
        %dma_start3A_459 = tpu.memref_squeeze %dma_start3A_458 : memref<1x8x1x8x128xf32, #tpu.memory_space<hbm>> -> memref<8x8x128xf32, #tpu.memory_space<hbm>>
        %dma_start3A_460 = tpu.memref_slice %arg22[%and3A_449] : memref<2x!tpu.dma_semaphore, #tpu.memory_space<semaphore_mem>> -> memref<1x!tpu.dma_semaphore, #tpu.memory_space<semaphore_mem>>
        %dma_start3A_461 = tpu.memref_squeeze %dma_start3A_460 : memref<1x!tpu.dma_semaphore, #tpu.memory_space<semaphore_mem>> -> memref<!tpu.dma_semaphore, #tpu.memory_space<semaphore_mem>>
        %dma_start3A_462 = arith.constant 0 : i32
        %dma_start3A_463 = arith.constant 0 : i32
        %dma_start3A_464 = arith.constant 0 : i32
        %dma_start3A_465 = tpu.memref_slice %arg10[%add3A_447, %dma_start3A_462, %scan3A_287, %dma_start3A_463, %dma_start3A_464] : memref<512x8x8x8x128xf32, #tpu.memory_space<hbm>> -> memref<1x8x1x8x128xf32, #tpu.memory_space<hbm>>
        %dma_start3A_466 = tpu.memref_squeeze %dma_start3A_465 : memref<1x8x1x8x128xf32, #tpu.memory_space<hbm>> -> memref<8x8x128xf32, #tpu.memory_space<hbm>>
        %dma_start3A_467 = arith.constant 0 : i32
        %dma_start3A_468 = arith.constant 0 : i32
        %dma_start3A_469 = arith.constant 0 : i32
        %dma_start3A_470 = tpu.memref_slice %arg20[%and3A_443, %dma_start3A_467, %dma_start3A_468, %dma_start3A_469] : memref<2x8x8x128xf32, #tpu.memory_space<vmem>> -> memref<1x8x8x128xf32, #tpu.memory_space<vmem>>
        %dma_start3A_471 = tpu.memref_squeeze %dma_start3A_470 : memref<1x8x8x128xf32, #tpu.memory_space<vmem>> -> memref<8x8x128xf32, #tpu.memory_space<vmem>>
        tpu.enqueue_dma source(%dma_start3A_471 : memref<8x8x128xf32, #tpu.memory_space<vmem>>) target(%dma_start3A_466 : memref<8x8x128xf32, #tpu.memory_space<hbm>>) target_semaphore(%dma_start3A_461 : memref<!tpu.dma_semaphore, #tpu.memory_space<semaphore_mem>>)
      }
      %scan3A_335 = arith.constant 16 : i32
      %mul3A_336 = arith.constant 64 : i32
      %mul3A_337 = arith.muli %select_n3A, %mul3A_336 : i32
      %add3A_338 = arith.addi %mul3A_337, %mul3A_32 : i32
      %add3A_339 = arith.constant 14 : i32
      %add3A_340 = arith.addi %add3A_338, %add3A_339 : i32
      %dma_wait3A_341 = arith.constant 0 : i32
      %dma_wait3A_342 = arith.constant 0 : i32
      %dma_wait3A_343 = arith.constant 0 : i32
      %dma_wait3A_344 = arith.constant 0 : i32
      %dma_wait3A_345 = arith.constant 0 : i32
      %dma_wait3A_346 = tpu.memref_slice %arg20[%dma_wait3A_341, %dma_wait3A_343, %dma_wait3A_344, %dma_wait3A_345] : memref<2x8x8x128xf32, #tpu.memory_space<vmem>> -> memref<1x8x8x128xf32, #tpu.memory_space<vmem>>
      %dma_wait3A_347 = tpu.memref_squeeze %dma_wait3A_346 : memref<1x8x8x128xf32, #tpu.memory_space<vmem>> -> memref<8x8x128xf32, #tpu.memory_space<vmem>>
      %dma_wait3A_348 = arith.constant 0 : i32
      %dma_wait3A_349 = arith.constant 0 : i32
      %dma_wait3A_350 = arith.constant 0 : i32
      %dma_wait3A_351 = tpu.memref_slice %arg10[%add3A_340, %dma_wait3A_348, %scan3A_287, %dma_wait3A_349, %dma_wait3A_350] : memref<512x8x8x8x128xf32, #tpu.memory_space<hbm>> -> memref<1x8x1x8x128xf32, #tpu.memory_space<hbm>>
      %dma_wait3A_352 = tpu.memref_squeeze %dma_wait3A_351 : memref<1x8x1x8x128xf32, #tpu.memory_space<hbm>> -> memref<8x8x128xf32, #tpu.memory_space<hbm>>
      %dma_wait3A_353 = tpu.memref_slice %arg22[%dma_wait3A_342] : memref<2x!tpu.dma_semaphore, #tpu.memory_space<semaphore_mem>> -> memref<1x!tpu.dma_semaphore, #tpu.memory_space<semaphore_mem>>
      %dma_wait3A_354 = tpu.memref_squeeze %dma_wait3A_353 : memref<1x!tpu.dma_semaphore, #tpu.memory_space<semaphore_mem>> -> memref<!tpu.dma_semaphore, #tpu.memory_space<semaphore_mem>>
      %dma_wait3A_355 = arith.constant 0 : i32
      %dma_wait3A_356 = arith.constant 0 : i32
      %dma_wait3A_357 = arith.constant 0 : i32
      %dma_wait3A_358 = tpu.memref_slice %arg10[%add3A_340, %dma_wait3A_355, %scan3A_287, %dma_wait3A_356, %dma_wait3A_357] : memref<512x8x8x8x128xf32, #tpu.memory_space<hbm>> -> memref<1x8x1x8x128xf32, #tpu.memory_space<hbm>>
      %dma_wait3A_359 = tpu.memref_squeeze %dma_wait3A_358 : memref<1x8x1x8x128xf32, #tpu.memory_space<hbm>> -> memref<8x8x128xf32, #tpu.memory_space<hbm>>
      %dma_wait3A_360 = arith.constant 0 : i32
      %dma_wait3A_361 = arith.constant 0 : i32
      %dma_wait3A_362 = arith.constant 0 : i32
      %dma_wait3A_363 = tpu.memref_slice %arg20[%dma_wait3A_341, %dma_wait3A_360, %dma_wait3A_361, %dma_wait3A_362] : memref<2x8x8x128xf32, #tpu.memory_space<vmem>> -> memref<1x8x8x128xf32, #tpu.memory_space<vmem>>
      %dma_wait3A_364 = tpu.memref_squeeze %dma_wait3A_363 : memref<1x8x8x128xf32, #tpu.memory_space<vmem>> -> memref<8x8x128xf32, #tpu.memory_space<vmem>>
      tpu.wait_dma2 semaphore(%dma_wait3A_354 : memref<!tpu.dma_semaphore, #tpu.memory_space<semaphore_mem>>) src(%dma_wait3A_364 : memref<8x8x128xf32, #tpu.memory_space<vmem>>) dst(%dma_wait3A_359 : memref<8x8x128xf32, #tpu.memory_space<hbm>>)
      %mul3A_365 = arith.constant 64 : i32
      %mul3A_366 = arith.muli %select_n3A, %mul3A_365 : i32
      %add3A_367 = arith.addi %mul3A_366, %mul3A_32 : i32
      %add3A_368 = arith.constant 15 : i32
      %add3A_369 = arith.addi %add3A_367, %add3A_368 : i32
      %dma_wait3A_370 = arith.constant 1 : i32
      %dma_wait3A_371 = arith.constant 1 : i32
      %dma_wait3A_372 = arith.constant 0 : i32
      %dma_wait3A_373 = arith.constant 0 : i32
      %dma_wait3A_374 = arith.constant 0 : i32
      %dma_wait3A_375 = tpu.memref_slice %arg20[%dma_wait3A_370, %dma_wait3A_372, %dma_wait3A_373, %dma_wait3A_374] : memref<2x8x8x128xf32, #tpu.memory_space<vmem>> -> memref<1x8x8x128xf32, #tpu.memory_space<vmem>>
      %dma_wait3A_376 = tpu.memref_squeeze %dma_wait3A_375 : memref<1x8x8x128xf32, #tpu.memory_space<vmem>> -> memref<8x8x128xf32, #tpu.memory_space<vmem>>
      %dma_wait3A_377 = arith.constant 0 : i32
      %dma_wait3A_378 = arith.constant 0 : i32
      %dma_wait3A_379 = arith.constant 0 : i32
      %dma_wait3A_380 = tpu.memref_slice %arg10[%add3A_369, %dma_wait3A_377, %scan3A_287, %dma_wait3A_378, %dma_wait3A_379] : memref<512x8x8x8x128xf32, #tpu.memory_space<hbm>> -> memref<1x8x1x8x128xf32, #tpu.memory_space<hbm>>
      %dma_wait3A_381 = tpu.memref_squeeze %dma_wait3A_380 : memref<1x8x1x8x128xf32, #tpu.memory_space<hbm>> -> memref<8x8x128xf32, #tpu.memory_space<hbm>>
      %dma_wait3A_382 = tpu.memref_slice %arg22[%dma_wait3A_371] : memref<2x!tpu.dma_semaphore, #tpu.memory_space<semaphore_mem>> -> memref<1x!tpu.dma_semaphore, #tpu.memory_space<semaphore_mem>>
      %dma_wait3A_383 = tpu.memref_squeeze %dma_wait3A_382 : memref<1x!tpu.dma_semaphore, #tpu.memory_space<semaphore_mem>> -> memref<!tpu.dma_semaphore, #tpu.memory_space<semaphore_mem>>
      %dma_wait3A_384 = arith.constant 0 : i32
      %dma_wait3A_385 = arith.constant 0 : i32
      %dma_wait3A_386 = arith.constant 0 : i32
      %dma_wait3A_387 = tpu.memref_slice %arg10[%add3A_369, %dma_wait3A_384, %scan3A_287, %dma_wait3A_385, %dma_wait3A_386] : memref<512x8x8x8x128xf32, #tpu.memory_space<hbm>> -> memref<1x8x1x8x128xf32, #tpu.memory_space<hbm>>
      %dma_wait3A_388 = tpu.memref_squeeze %dma_wait3A_387 : memref<1x8x1x8x128xf32, #tpu.memory_space<hbm>> -> memref<8x8x128xf32, #tpu.memory_space<hbm>>
      %dma_wait3A_389 = arith.constant 0 : i32
      %dma_wait3A_390 = arith.constant 0 : i32
      %dma_wait3A_391 = arith.constant 0 : i32
      %dma_wait3A_392 = tpu.memref_slice %arg20[%dma_wait3A_370, %dma_wait3A_389, %dma_wait3A_390, %dma_wait3A_391] : memref<2x8x8x128xf32, #tpu.memory_space<vmem>> -> memref<1x8x8x128xf32, #tpu.memory_space<vmem>>
      %dma_wait3A_393 = tpu.memref_squeeze %dma_wait3A_392 : memref<1x8x8x128xf32, #tpu.memory_space<vmem>> -> memref<8x8x128xf32, #tpu.memory_space<vmem>>
      tpu.wait_dma2 semaphore(%dma_wait3A_383 : memref<!tpu.dma_semaphore, #tpu.memory_space<semaphore_mem>>) src(%dma_wait3A_393 : memref<8x8x128xf32, #tpu.memory_space<vmem>>) dst(%dma_wait3A_388 : memref<8x8x128xf32, #tpu.memory_space<hbm>>)
      %lt3A_394 = arith.constant 7 : i32
      %lt3A_395 = arith.cmpi slt, %scan3A_287, %lt3A_394 : i32
      %convert_element_type3A_396 = arith.extui %lt3A_395 : i1 to i32
      %cond3A_397 = arith.constant 0 : i32
      %cond3A_398 = arith.cmpi ne, %convert_element_type3A_396, %cond3A_397 : i32
      scf.if %cond3A_398 {
        %add3A_399 = arith.constant 1 : i32
        %add3A_400 = arith.addi %scan3A_287, %add3A_399 : i32
        %sub3A_401 = arith.constant 1 : i32
        %sub3A_402 = arith.subi %sub3A_401, %and3A_291 : i32
        %mul3A_403 = arith.constant 128 : i32
        %mul3A_404 = arith.muli %add3A_400, %mul3A_403 : i32
        %dma_wait3A_405 = arith.constant 0 : i32
        %dma_wait3A_406 = arith.constant 0 : i32
        %dma_wait3A_407 = tpu.memref_slice %arg19[%sub3A_402, %dma_wait3A_405, %dma_wait3A_406] : memref<2x16x128xi32, #tpu.memory_space<vmem>> -> memref<1x16x128xi32, #tpu.memory_space<vmem>>
        %dma_wait3A_408 = tpu.memref_squeeze %dma_wait3A_407 : memref<1x16x128xi32, #tpu.memory_space<vmem>> -> memref<16x128xi32, #tpu.memory_space<vmem>>
        %dma_wait3A_409 = tpu.memref_slice %arg2[%select_n3A, %mul3A_32, %mul3A_404] : memref<8x64x1024xi32, #tpu.memory_space<hbm>> -> memref<1x16x128xi32, #tpu.memory_space<hbm>>
        %dma_wait3A_410 = tpu.memref_squeeze %dma_wait3A_409 : memref<1x16x128xi32, #tpu.memory_space<hbm>> -> memref<16x128xi32, #tpu.memory_space<hbm>>
        %dma_wait3A_411 = arith.constant 0 : i32
        %dma_wait3A_412 = arith.constant 0 : i32
        %dma_wait3A_413 = tpu.memref_slice %arg19[%sub3A_402, %dma_wait3A_411, %dma_wait3A_412] : memref<2x16x128xi32, #tpu.memory_space<vmem>> -> memref<1x16x128xi32, #tpu.memory_space<vmem>>
        %dma_wait3A_414 = tpu.memref_squeeze %dma_wait3A_413 : memref<1x16x128xi32, #tpu.memory_space<vmem>> -> memref<16x128xi32, #tpu.memory_space<vmem>>
        %dma_wait3A_415 = tpu.memref_slice %arg2[%select_n3A, %mul3A_32, %mul3A_404] : memref<8x64x1024xi32, #tpu.memory_space<hbm>> -> memref<1x16x128xi32, #tpu.memory_space<hbm>>
        %dma_wait3A_416 = tpu.memref_squeeze %dma_wait3A_415 : memref<1x16x128xi32, #tpu.memory_space<hbm>> -> memref<16x128xi32, #tpu.memory_space<hbm>>
        tpu.wait_dma2 semaphore(%arg23 : memref<!tpu.dma_semaphore, #tpu.memory_space<semaphore_mem>>) src(%dma_wait3A_416 : memref<16x128xi32, #tpu.memory_space<hbm>>) dst(%dma_wait3A_414 : memref<16x128xi32, #tpu.memory_space<vmem>>)
      } else {
      }
    }
    %scan3A_286 = arith.constant 8 : i32
    return
  }
}

</mosaic_0001>

<sc_bundles>
// kernel: kernel.3.cloned.1.call-start
scs
__scs_entry_jumppad:
0x0: {  	(pc) =	sbr.rel $0x88, $3  }
0x1: {  	(tag) =	ssettag $0x0;
	lr =	simm.s32 $0x1  }
0x2: {  	[smem:$0x3F99] =	sst lr;
	_ =	strace $0xD0000000  }
0x3: {  	_ = 	snop  }
0x4: {  	_ = 	snop  }
0x5: {  	_ = 	snop  }
0x6: {  	_ = 	snop  }
0x7: {  	_ = 	snop  }
__scs_overlays_trampoline_lowered:
0x8: {  	[smem:$0x3FA8] =	sst s0  }
0x9: {  	[smem:$0x3FA9] =	sst s1  }
0xa: {  	[smem:$0x3FAA] =	sst s2  }
0xb: {  	[smem:$0x3FAB] =	sst s3  }
0xc: {  	[smem:$0x3FAC] =	sst s4  }
0xd: {  	[smem:$0x3FAD] =	sst s5  }
0xe: {  	[smem:$0x3FAE] =	sst s6  }
0xf: {  	[smem:$0x3FAF] =	sst s7  }
0x10: {  	[smem:$0x3FB0] =	sst s8  }
0x11: {  	[smem:$0x3FB1] =	sst s9;
	s0 =	simm.s32 @!p0 $0x0  }
0x12: {  	s1 =	sld [smem:$0x3F97];
	s0 =	simm.s32 @p0 $0x1  }
0x13: {  	[smem:$0x3FB2] =	sst s0;
	s0 =	simm.s32 @!p1 $0x0  }
0x14: {  	s2 =	sld [smem:$0x3F96];
	s0 =	simm.s32 @p1 $0x1  }
0x15: {  	[smem:$0x3FB3] =	sst s0;
	s0 =	simm.s32 @!p2 $0x0  }
0x16: {  	s3 =	sld [smem:$0x3FDB];
	s0 =	simm.s32 @p2 $0x1  }
0x17: {  	s4 =	simm.s32 $0x1BF5;
	[smem:$0x3FB5] =	sst s0  }
0x18: {  	s0 =	sld [smem:$0x3F98];
	_ =	swait.ge [sflag:s4], $0x0  }
0x19: {  	s7 =	sld [smem:$0x3F99]  }
0x1a: {  	s8 =	sadd.s32 $0xFFFFE003, lr  }
0x1b: {  	s9 =	sadd.s32 $0xFFFFFEF7, lr;
	s5 =	simm.s32 $0xFFFFFFFF;
	p2 =	slt.u32 s8, $0xFFFFF086  }
0x1c: {  	p1 =	slt.u32 s9, $0xF7A;
	s5 =	simm.s32 @!p2 $0x0  }
0x1d: {  	s5 =	simm.s32 @p1 $0x1;
	p0 =	seq.s32 s7, s2  }
0x1e: {  	s7 =	smul.u32 @!p0 $0xF7A, s2;
	p2 =	seq.s32 @!p0 s5, $0x0  }
0x1f: {  	s9 =	smul.u32 $0xF7A, s1;
	s8 =	simm.s32 @!p0 $0x1BF5;
	p2 =	por !p2, p0  }
0x20: {  	[sflag:s8] =	ssyncset.s32 @!p0 $0xFFFFF086;
	s6 =	sadd.s32 @!p0 s3, s7;
	s7 =	simm.s32 @!p0 $0x108  }
0x21: {  	s3 =	sadd.s32 s3, s9;
	s6 =	sadd.s32 @!p0 $0x88, s6;
	s7 =	simm.s32 @p2 $0x1082  }
0x22: {  	[simem:s7], [sflag:s8] =	dma.local @!p0 [hbm:s6], $0xF7A  }
0x23: {  	s9 =	sor.u32 $0xD0000000, s2;
	s6 =	simm.s32 $0x108;
	_ =	swait.ge @!p0 [sflag:s8], $0x0  }
0x24: {  	s3 =	sadd.s32 $0x88, s3;
	s6 =	simm.s32 @!p1 $0x1082;
	[sflag:s4] =	ssyncset.s32 $0xFFFFF086  }
0x25: {  	[simem:s6], [sflag:s4] =	dma.local [hbm:s3], $0xF7A  }
0x26: {  	[smem:$0x3F99] =	sst s1;
	(tag) =	ssettag s2;
	_ =	strace s9  }
0x27: {  	s1 =	sld [smem:$0x3FA9]  }
0x28: {  	s2 =	sld [smem:$0x3FAA]  }
0x29: {  	s4 =	sld [smem:$0x3FAC]  }
0x2a: {  	p0 =	seq.s32 s5, $0x0;
	s5 =	sld [smem:$0x3FAD]  }
0x2b: {  	s6 =	sld [smem:$0x3FAE]  }
0x2c: {  	s7 =	sld [smem:$0x3FAF]  }
0x2d: {  	s3 =	simm.s32 $0x108;
	s8 =	sld [smem:$0x3FB0]  }
0x2e: {  	s3 =	simm.s32 @!p0 $0x1082;
	s9 =	sld [smem:$0x3FB1]  }
0x2f: {  	lr =	sadd.s32 s0, s3;
	s0 =	sld [smem:$0x3FA8]  }
0x30: {  	s3 =	sld [smem:$0x3FAB]  }
0x31: {  	[smem:$0x3FB4] =	sst s10  }
0x32: {  	s10 =	sld [smem:$0x3FB2];
	_ =	sdelay $0x3  }
0x33: {  	p0 =	seq.s32 s10, $0x1;
	s10 =	sld [smem:$0x3FB4];
	_ =	sdelay $0x3  }
0x34: {  	[smem:$0x3FB4] =	sst s10  }
0x35: {  	s10 =	sld [smem:$0x3FB3];
	_ =	sdelay $0x3  }
0x36: {  	p1 =	seq.s32 s10, $0x1;
	s10 =	sld [smem:$0x3FB4];
	_ =	sdelay $0x3  }
0x37: {  	[smem:$0x3FB4] =	sst s10  }
0x38: {  	s10 =	sld [smem:$0x3FB5]  }
0x39: {  	_ = 	snop;
	(pc) =	sbr.ind lr, $3  }
0x3a: {  	_ = 	snop  }
0x3b: {  	_ = 	snop  }
0x3c: {  	p2 =	seq.s32 s10, $0x1;
	s10 =	sld [smem:$0x3FB4]  }
0x3d: {  	_ =	shalt  }
0x3e: {  	_ =	shalt  }
0x3f: {  	_ =	shalt  }
0x40: {  	_ =	shalt  }
0x41: {  	_ =	shalt  }
0x42: {  	_ =	shalt  }
0x43: {  	_ =	shalt  }
0x44: {  	_ =	shalt  }
0x45: {  	_ =	shalt  }
0x46: {  	_ =	shalt  }
0x47: {  	_ =	shalt  }
0x48: {  	_ =	shalt  }
0x49: {  	_ =	shalt  }
0x4a: {  	_ =	shalt  }
0x4b: {  	_ =	shalt  }
0x4c: {  	_ =	shalt  }
0x4d: {  	_ =	shalt  }
0x4e: {  	_ =	shalt  }
0x4f: {  	_ =	shalt  }
0x50: {  	_ =	shalt  }
0x51: {  	_ =	shalt  }
0x52: {  	_ =	shalt  }
0x53: {  	_ =	shalt  }
0x54: {  	_ =	shalt  }
0x55: {  	_ =	shalt  }
0x56: {  	_ =	shalt  }
0x57: {  	_ =	shalt  }
0x58: {  	_ =	shalt  }
0x59: {  	_ =	shalt  }
0x5a: {  	_ =	shalt  }
0x5b: {  	_ =	shalt  }
0x5c: {  	_ =	shalt  }
0x5d: {  	_ =	shalt  }
0x5e: {  	_ =	shalt  }
0x5f: {  	_ =	shalt  }
0x60: {  	_ =	shalt  }
0x61: {  	_ =	shalt  }
0x62: {  	_ =	shalt  }
0x63: {  	_ =	shalt  }
0x64: {  	_ =	shalt  }
0x65: {  	_ =	shalt  }
0x66: {  	_ =	shalt  }
0x67: {  	_ =	shalt  }
0x68: {  	_ =	shalt  }
0x69: {  	_ =	shalt  }
0x6a: {  	_ =	shalt  }
0x6b: {  	_ =	shalt  }
0x6c: {  	_ =	shalt  }
0x6d: {  	_ =	shalt  }
0x6e: {  	_ =	shalt  }
0x6f: {  	_ =	shalt  }
0x70: {  	_ =	shalt  }
0x71: {  	_ =	shalt  }
0x72: {  	_ =	shalt  }
0x73: {  	_ =	shalt  }
0x74: {  	_ =	shalt  }
0x75: {  	_ =	shalt  }
0x76: {  	_ =	shalt  }
0x77: {  	_ =	shalt  }
0x78: {  	_ =	shalt  }
0x79: {  	_ =	shalt  }
0x7a: {  	_ =	shalt  }
0x7b: {  	_ =	shalt  }
0x7c: {  	_ =	shalt  }
0x7d: {  	_ =	shalt  }
0x7e: {  	_ =	shalt  }
0x7f: {  	_ =	shalt  }
0x80: {  	_ =	shalt  }
0x81: {  	_ =	shalt  }
0x82: {  	_ =	shalt  }
0x83: {  	_ =	shalt  }
0x84: {  	_ =	shalt  }
0x85: {  	_ =	shalt  }
0x86: {  	_ =	shalt  }
0x87: {  	_ =	shalt  }
.Lfunc_end0:
.L_simem_size_0:
called_computation_lowered:
.L_overlay_start_0:
0x88: {  	s2 =	sld [smem:$0x3FD9]  }
0x89: {  	s3 =	sld [smem:$0x3FFE];
	_ =	sdelay $0x1  }
0x8a: {  	s1 =	srdreg.scid  }
0x8b: {  	s0 =	sand.u32 $0x1, s1  }
0x8c: {  	s17 =	sshll.u32 s0, $0xA;
	s2 =	sadd.s32 s3, s2  }
0x8d: {  	s2 =	sadd.s32 s2, s17  }
0x8e: {  	[smem:$0x3FC0] =	sst s2  }
0x8f: {  	_ = 	snop  }
0x90: {  	s2 =	sld [smem:$0x3FC8]  }
0x91: {  	s18 =	sld [smem:$0x3FC7]  }
0x92: {  	s4 =	sld [smem:$0x3FD0];
	(tm) =	ssettm $0x1  }
0x93: {  	s5 =	sld [smem:$0x3FFB];
	_ =	sdelay $0x3  }
0x94: {  	_ =	strace s5  }
0x95: {  	s5 =	sld [smem:$0x3FFC];
	_ =	sdelay $0x3  }
0x96: {  	_ =	strace s5  }
0x97: {  	s5 =	sld [smem:$0x3FFD];
	_ =	sdelay $0x3  }
0x98: {  	_ =	strace s5  }
0x99: {  	_ =	strace $0x8FFFFFFF  }
0x9a: {  	s19 =	sld [smem:$0x3FDB];
	_ =	sdelay $0x1  }
0x9b: {  	s6 =	simm.s32 $_scs_section_size  }
0x9c: {  	s7 =	simm.s32 $_size__tile_overlayer_lowered;
	s8 =	simm.s32 $_tile_overlayer_lowered  }
0x9d: {  	s22 =	simm.s32 $0x1BFF;
	s21 =	sshll.u32 s8, $0x1;
	s5 =	sadd.s32 s6, s19  }
0x9e: {  	s9 =	simm.s32 $0x0;
	s20 =	sshll.u32 s7, $0x1;
	s7 =	sadd.s32 s21, s5  }
0x9f: {  	[timem:s9], [sflag:s22] =	dma.local [hbm:s7], s20  }
0xa0: {  	_ =	swait.ge [sflag:s22], s20  }
0xa1: {  	s6 =	ssub.s32 $0x0, s20;
	[sflag:s22] =	ssyncset.done $0x0  }
0xa2: {  	[sflag:s22] =	ssyncadd.s32 s6;
	_ =	sdelay $0x1  }
0xa3: {  	s23 =	simm.s32 $0x1B8B  }
0xa4: {  	_ =	swait.ge [sflag:s23], $0x1  }
0xa5: {  	[sflag:s23] =	ssyncset.done $0x0  }
0xa6: {  	s25 =	simm.s32 $0x1B8E;
	s24 =	sld [smem:$0x3FFE];
	[sflag:s23] =	ssyncadd.s32 $0xFFFFFFFF  }
0xa7: {  	s26 =	simm.s32 $execute0_lowered;
	[smem:$0x3FD2] =	sst s25  }
0xa8: {  	s7 =	sshll.u32 s26, $0x1;
	_ =	strace $0x80000046;
	[dreg:$0x1] =	wrdreg $0xFFFFFFFF  }
0xa9: {  	s28 =	simm.s32 $_size_execute0_lowered;
	s5 =	sadd.s32 s5, s7;
	[dreg:$0x0] =	wrdreg $0x0  }
0xaa: {  	s7 =	sshll.u32 s28, $0x1;
	[dreg:$0x2] =	wrdreg s5  }
0xab: {  	[dreg:$0x3] =	wrdreg s7  }
0xac: {  	[dreg:$0x4] =	wrdreg $0xC0  }
0xad: {  	_ =	task [dreg:s9], $0x5FFFF  }
0xae: {  	[dreg:$0x1] =	wrdreg $0xFFFFFFFF  }
0xaf: {  	[dreg:$0x0] =	wrdreg $0x60  }
0xb0: {  	[dreg:$0x2] =	wrdreg s24  }
0xb1: {  	[dreg:$0x3] =	wrdreg s2  }
0xb2: {  	[dreg:$0x4] =	wrdreg s18  }
0xb3: {  	[dreg:$0x5] =	wrdreg s4  }
0xb4: {  	[dreg:$0x6] =	wrdreg $0x9  }
0xb5: {  	_ =	task.clear_ibuf [dreg:s9], $0x7FFFF;
	_ =	strace $0x90000046  }
0xb6: {  	s29 =	simm.s32 $0x9;
	_ =	strace $0x80000048  }
0xb7: {  	_ =	swait.ge [sflag:s29], $0x1  }
0xb8: {  	[sflag:s29] =	ssyncadd.s32 $0xFFFFFFFF  }
0xb9: {  	_ =	strace $0x90000048  }
0xba: {  	_ =	sfence  }
0xbb: {  	s30 =	sld [smem:$0x0];
	_ =	sdelay $0x2  }
0xbc: {  	s31 =	sshll.u32 s1, $0xD;
	s1 =	sshrl.u32 s1, $0x2  }
0xbd: {  	s3 =	sand.u32 $0x4000, s31;
	s1 =	sadd.s32 s1, s30  }
0xbe: {  	s0 =	sor.u32 s3, s0;
	s1 =	sshll.u32 s1, $0x11  }
0xbf: {  	s0 =	sor.u32 s1, s0  }
0xc0: {  	s0 =	sadd.s32 $0x8F2B, s0  }
0xc1: {  	[sflag:s0] =	ssyncadd.remote.s32 $0x1  }
0xc2: {  	_ =	sfence.sel $0xFFFF  }
0xc3: {  	[dreg:$0x0] =	wrdreg $0xFFFFFFFF;
	(pc) =	sbr.abs _section_cstart, $3  }
0xc4: {  	[dreg:$0x1] =	wrdreg $0xFFFFFFFF  }
0xc5: {  	_ =	task.clear_ibuf [dreg:s9], $0x2FFFF;
	_ =	strace $0x9FFFFFFF  }
0xc6: {  	(tm) =	ssettm $0x7FFFFFFF  }
0xc7: {  	_ =	shalt  }
tec
execute0_lowered:
.L_overlay_start_1:
0x0: {  	(tag) =	ssettag $0x1  }
0x1: {  	s0 =	rddreg [dreg:$0x0]  }
0x2: {  	s1 =	rddreg [dreg:$0x2];
	s2 =	simm.s32 $0x0  }
0x3: {  	s22 =	srdreg.scid;
	s6 =	stileid.u32;
	s8 =	simm.s32 $0x80  }
0x4: {  	[smem:$0x7FF] =	sst s2;
	s4 =	sadd.s32 $0x5200, s0;
	s19 =	sadd.s32 $0x1000, s0  }
0x5: {  	s20 =	sadd.s32 $0x800, s0;
	_ =	strace $0x80000047;
	[dreg:$0x5] =	wrdreg s19  }
0x6: {  	s21 =	sadd.s32 $0x1200, s0;
	s3 =	sadd.s32 $0x600, s0;
	[dreg:$0x6] =	wrdreg s20  }
0x7: {  	s2 =	sand.u32 $0x1, s22;
	s23 =	sshll.u32 s6, $0x1;
	[dreg:$0x7] =	wrdreg s21  }
0x8: {  	s0 =	sadd.s32 $0x3200, s0;
	s6 =	sshrl.u32 s6, $0x1;
	[dreg:$0x8] =	wrdreg s3  }
0x9: {  	s22 =	simm.s32 $0x3;
	[dreg:$0x9] =	wrdreg s0;
	s24 =	ssub.s32 $0x2, s2  }
0xa: {  	s3 =	sand.u32 $0x2, s23;
	s25 =	sshll.u32 s6, $0x10;
	s28 =	sshll.u32 s6, $0x7  }
0xb: {  	s29 =	sshll.u32 s6, $0x6;
	s15 =	smov.u32 s4;
	s20 =	simm.s32 $0x50  }
0xc: {  	s21 =	simm.s32 $0x2000;
	s5 =	sshrl.u32 s24, $0x1;
	s2 =	sor.u32 s2, s3  }
0xd: {  	s1 =	sadd.s32 s1, s28;
	[dreg:$0xb] =	wrdreg s29;
	s0 =	ssub.s32 s24, s5  }
0xe: {  	s26 =	sshll.u32 s2, $0xE;
	s11 =	sshll.u32 s2, $0x4;
	[dreg:$0xa] =	wrdreg s1  }
.Ltmp0:
0xf: {  	s3 =	sor.u32 s25, s26;
	s16 =	sor.u32 s11, s29;
	(pc) =	sbr.rel .LBB2_1-.Ltmp0, $4  }
0x10: {  	s0 =	smax.u32 s0, $0x1;
	s25 =	simm.s32 $0x1850;
	s26 =	simm.s32 $0x4  }
0x11: {  	s30 =	sshrl.u32 s3, $0x3;
	s31 =	sor.u32 $0x80, s3;
	[dreg:$0xe] =	wrdreg s0  }
0x12: {  	v0 =	vlaneseq.u32;
	s0 =	simm.s32 $0x400;
	s1 =	sadd.s32 s4, s30;
	[dreg:$0xd] =	wrdreg s31  }
0x13: {  	v0 =	vmul.u32 $0x40, v0;
	s3 =	simm.s32 $0x0;
	[dreg:$0xc] =	wrdreg s1;
	s1 =	simm.s32 $0x5  }
.LBB2_12:
0x14: {  	s3 =	rddreg [dreg:$0xf]  }
0x15: {  	s2 =	rddreg [dreg:$0xe];
	s3 =	sadd.s32 $0x1, s3  }
0x16: {  	p0 =	sne.s32 s3, s2  }
.Ltmp1:
0x17: {  	_ = 	snop;
	(pc) =	sbr.rel @!p0 .LBB2_13-.Ltmp1, $2  }
0x18: {  	_ =	sdelay $0x2  }
0x19: {  	s8 =	simm.s32 $0x80  }
.LBB2_1:
0x1a: {  	[dreg:$0xf] =	wrdreg s3  }
0x1b: {  	s2 =	rddreg [dreg:$0x1];
	s18 =	simm.s32 $0x0;
	s4 =	simm.s32 $0x6  }
0x1c: {  	[tilespmem:s18], [sflag:$0x6] =	stream.linear.gather [hbm4b:s2+s18], $0x40, $0x38;
	[tilespmem:$0x1C850] =	vst v63  }
0x1d: {  	_ =	swait.ge [sflag:s4], $0x40  }
0x1e: {  	[sflag:s4] =	ssyncset.done $0x0  }
0x1f: {  	s5 =	simm.s32 $0x40;
	s19 =	rddreg [dreg:$0x5];
	[sflag:s4] =	ssyncadd.s32 $0xFFFFFFC0  }
0x20: {  	[tilespmem:s5], [sflag:$0x6] =	stream.linear.gather [hbm4b:s19+s18], $0x10, $0x38;
	[tilespmem:$0x1C850] =	vst v63  }
0x21: {  	_ =	swait.ge [sflag:s4], $0x10  }
0x22: {  	[sflag:s4] =	ssyncset.done $0x0  }
0x23: {  	s6 =	simm.s32 $0x11850;
	s23 =	rddreg [dreg:$0x6];
	[sflag:s4] =	ssyncadd.s32 $0xFFFFFFF0  }
0x24: {  	[tilespmem:s6], [sflag:$0x6] =	stream.linear.gather [hbm4b:s23+s18], $0x4000, $0x38;
	[tilespmem:$0x1C850] =	vst v63  }
0x25: {  	_ =	swait.ge [sflag:s4], $0x4000  }
0x26: {  	[sflag:s4] =	ssyncset.done $0x0  }
0x27: {  	s24 =	rddreg [dreg:$0x8];
	[sflag:s4] =	ssyncadd.s32 $0xFFFFC000  }
0x28: {  	[tilespmem:s20], [sflag:$0x6] =	stream.indirect.gather [hbm4b:s24+s5], $0x40, s18, s5, $0xb8;
	[tilespmem:$0x1C850] =	vst v63  }
0x29: {  	_ =	swait.ge [sflag:s4], $0x1000  }
0x2a: {  	s29 =	simm.s32 $0x10;
	[sflag:s4] =	ssyncset.done $0x0  }
0x2b: {  	s7 =	simm.s32 $0x1050;
	s28 =	rddreg [dreg:$0x9];
	[sflag:s4] =	ssyncadd.s32 $0xFFFFF000  }
0x2c: {  	[tilespmem:s7], [sflag:$0x6] =	stream.indirect.gather [hbm4b:s28+s29], $0x40, s5, s29, $0xb8;
	[tilespmem:$0x1C850] =	vst v63  }
0x2d: {  	_ =	swait.ge [sflag:s4], $0x400  }
0x2e: {  	[sflag:s4] =	ssyncset.done $0x0  }
0x2f: {  	s31 =	simm.s32 $0x1450;
	s30 =	rddreg [dreg:$0xa];
	[sflag:s4] =	ssyncadd.s32 $0xFFFFFC00  }
0x30: {  	[tilespmem:s31], [sflag:$0x6] =	stream.linear.gather [hbm4b:s30+s18], $0x400, $0x38;
	[tilespmem:$0x1C850] =	vst v63  }
0x31: {  	_ =	swait.ge [sflag:s4], $0x400  }
0x32: {  	[sflag:s4] =	ssyncset.done $0x0  }
0x33: {  	s6 =	rddreg [dreg:$0x7];
	[sflag:s4] =	ssyncadd.s32 $0xFFFFFC00  }
0x34: {  	[tilespmem:s25], [sflag:$0x1] =	stream.indirect.gather [hbm4b:s6+s8], $0x40, s31, s8, $0xb8;
	[tilespmem:$0x1C850] =	vst v63  }
0x35: {  	s9 =	simm.s32 $0x3850;
	s7 =	simm.s32 $0x14D0  }
0x36: {  	[tilespmem:s9], [sflag:$0x2] =	stream.indirect.gather [hbm4b:s6+s8], $0x40, s7, s8, $0xb8;
	[tilespmem:$0x1C850] =	vst v63  }
0x37: {  	s10 =	simm.s32 $0x1550;
	s12 =	simm.s32 $0x5850  }
0x38: {  	[tilespmem:s12], [sflag:$0x1] =	stream.indirect.gather [hbm4b:s6+s8], $0x40, s10, s8, $0xb8;
	[tilespmem:$0x1C850] =	vst v63  }
0x39: {  	s13 =	simm.s32 $0x15D0;
	s14 =	simm.s32 $0x7850  }
0x3a: {  	[tilespmem:s14], [sflag:$0x2] =	stream.indirect.gather [hbm4b:s6+s8], $0x40, s13, s8, $0xb8;
	[tilespmem:$0x1C850] =	vst v63  }
0x3b: {  	s17 =	simm.s32 $0x1650;
	s18 =	simm.s32 $0x9850  }
0x3c: {  	[tilespmem:s18], [sflag:$0x1] =	stream.indirect.gather [hbm4b:s6+s8], $0x40, s17, s8, $0xb8;
	[tilespmem:$0x1C850] =	vst v63  }
0x3d: {  	s19 =	simm.s32 $0x16D0;
	s23 =	simm.s32 $0xB850  }
0x3e: {  	[tilespmem:s23], [sflag:$0x2] =	stream.indirect.gather [hbm4b:s6+s8], $0x40, s19, s8, $0xb8;
	[tilespmem:$0x1C850] =	vst v63  }
0x3f: {  	s24 =	simm.s32 $0x1750;
	s28 =	simm.s32 $0xD850  }
0x40: {  	[tilespmem:s28], [sflag:$0x1] =	stream.indirect.gather [hbm4b:s6+s8], $0x40, s24, s8, $0xb8;
	[tilespmem:$0x1C850] =	vst v63  }
0x41: {  	s29 =	simm.s32 $0x17D0;
	s30 =	simm.s32 $0xF850;
	s31 =	rddreg [dreg:$0xb]  }
0x42: {  	[tilespmem:s30], [sflag:$0x2] =	stream.indirect.gather [hbm4b:s6+s8], $0x40, s29, s8, $0xb8;
	[tilespmem:$0x1C850] =	vst v63  }
0x43: {  	v1 =	vld [tilespmem:s31+$0x1050]  }
0x44: {  	v2 =	vld [tilespmem:s31+$0x1080]  }
0x45: {  	v4 =	vld [tilespmem:s31+$0x1070]  }
0x46: {  	v3 =	vld [tilespmem:s31+$0x1060];
	_ =	sdelay $0x1  }
0x47: {  	[tilespmem:s20+$0x0] =	vst.add.f32.msk $0xffff, v1  }
0x48: {  	[tilespmem:s20+$0xF0] =	vst.add.f32.msk $0xffff, v2  }
0x49: {  	[tilespmem:s20+$0xE0] =	vst.add.f32.msk $0xffff, v4  }
0x4a: {  	[tilespmem:s20+$0xD0] =	vst.add.f32.msk $0xffff, v3  }
0x4b: {  	[tilespmem:s20+$0xC0] =	vst.add.f32.msk $0xffff, v1  }
0x4c: {  	[tilespmem:s20+$0xB0] =	vst.add.f32.msk $0xffff, v2  }
0x4d: {  	[tilespmem:s20+$0xA0] =	vst.add.f32.msk $0xffff, v4  }
0x4e: {  	[tilespmem:s20+$0x90] =	vst.add.f32.msk $0xffff, v3  }
0x4f: {  	[tilespmem:s20+$0x80] =	vst.add.f32.msk $0xffff, v1  }
0x50: {  	[tilespmem:s20+$0x70] =	vst.add.f32.msk $0xffff, v2  }
0x51: {  	[tilespmem:s20+$0x60] =	vst.add.f32.msk $0xffff, v4  }
0x52: {  	[tilespmem:s20+$0x50] =	vst.add.f32.msk $0xffff, v3  }
0x53: {  	[tilespmem:s20+$0x40] =	vst.add.f32.msk $0xffff, v1  }
0x54: {  	[tilespmem:s20+$0x30] =	vst.add.f32.msk $0xffff, v2  }
0x55: {  	s3 =	simm.s32 $0x50;
	s2 =	simm.s32 $0x0;
	[tilespmem:s20+$0x20] =	vst.add.f32.msk $0xffff, v4  }
.LBB2_2:
0x56: {  	s2 =	sadd.s32 $0x4, s2;
	[tilespmem:s3+$0x10] =	vst.add.f32.msk $0xffff, v3;
	s3 =	sadd.s32 $0x100, s3  }
0x57: {  	[tilespmem:s3+$0x0] =	vst.add.f32.msk $0xffff, v1;
	p0 =	slt.u32 s2, $0x3C  }
0x58: {  	[tilespmem:s3+$0xF0] =	vst.add.f32.msk $0xffff, v2  }
0x59: {  	[tilespmem:s3+$0xE0] =	vst.add.f32.msk $0xffff, v4  }
0x5a: {  	[tilespmem:s3+$0xD0] =	vst.add.f32.msk $0xffff, v3  }
0x5b: {  	[tilespmem:s3+$0xC0] =	vst.add.f32.msk $0xffff, v1  }
0x5c: {  	[tilespmem:s3+$0xB0] =	vst.add.f32.msk $0xffff, v2  }
0x5d: {  	[tilespmem:s3+$0xA0] =	vst.add.f32.msk $0xffff, v4  }
0x5e: {  	[tilespmem:s3+$0x90] =	vst.add.f32.msk $0xffff, v3  }
0x5f: {  	[tilespmem:s3+$0x80] =	vst.add.f32.msk $0xffff, v1  }
0x60: {  	[tilespmem:s3+$0x70] =	vst.add.f32.msk $0xffff, v2  }
.Ltmp2:
0x61: {  	[tilespmem:s3+$0x60] =	vst.add.f32.msk $0xffff, v4;
	(pc) =	sbr.rel @p0 .LBB2_2-.Ltmp2, $4  }
0x62: {  	[tilespmem:s3+$0x50] =	vst.add.f32.msk $0xffff, v3  }
0x63: {  	[tilespmem:s3+$0x40] =	vst.add.f32.msk $0xffff, v1  }
0x64: {  	[tilespmem:s3+$0x30] =	vst.add.f32.msk $0xffff, v2  }
0x65: {  	[tilespmem:s3+$0x20] =	vst.add.f32.msk $0xffff, v4  }
0x66: {  	[tilespmem:s3+$0x10] =	vst.add.f32.msk $0xffff, v3;
	s2 =	simm.s32 $0x1  }
0x67: {  	_ =	swait.ge [sflag:s2], $0x2000  }
0x68: {  	[sflag:s2] =	ssyncset.done $0x0  }
0x69: {  	s29 =	simm.s32 $0x2;
	[sflag:s2] =	ssyncadd.s32 $0xFFFFE000  }
0x6a: {  	_ =	swait.ge [sflag:s29], $0x2000  }
0x6b: {  	[sflag:s29] =	ssyncset.done $0x0  }
0x6c: {  	[sflag:s29] =	ssyncadd.s32 $0xFFFFE000  }
0x6d: {  	_ =	swait.ge [sflag:s2], $0x2000  }
0x6e: {  	[sflag:s2] =	ssyncset.done $0x0  }
0x6f: {  	[sflag:s2] =	ssyncadd.s32 $0xFFFFE000  }
0x70: {  	_ =	swait.ge [sflag:s29], $0x2000  }
0x71: {  	[sflag:s29] =	ssyncset.done $0x0  }
0x72: {  	[sflag:s29] =	ssyncadd.s32 $0xFFFFE000  }
0x73: {  	_ =	swait.ge [sflag:s2], $0x2000  }
0x74: {  	[sflag:s2] =	ssyncset.done $0x0  }
0x75: {  	[sflag:s2] =	ssyncadd.s32 $0xFFFFE000  }
0x76: {  	_ =	swait.ge [sflag:s29], $0x2000  }
0x77: {  	[sflag:s29] =	ssyncset.done $0x0  }
0x78: {  	[sflag:s29] =	ssyncadd.s32 $0xFFFFE000  }
0x79: {  	_ =	swait.ge [sflag:s2], $0x2000  }
0x7a: {  	[sflag:s2] =	ssyncset.done $0x0  }
0x7b: {  	[sflag:s2] =	ssyncadd.s32 $0xFFFFE000  }
0x7c: {  	_ =	swait.ge [sflag:s29], $0x2000  }
0x7d: {  	[sflag:s29] =	ssyncset.done $0x0  }
0x7e: {  	s31 =	simm.s32 $0x17850;
	s30 =	rddreg [dreg:$0xc];
	[sflag:s29] =	ssyncadd.s32 $0xFFFFE000  }
0x7f: {  	[tilespmem:s31], [sflag:$0x5] =	stream.strided.gather [hbm4b:s30+s8], $0x800, s0, s8, $0x38;
	[tilespmem:$0x1C850] =	vst v63  }
0x80: {  	_ =	swait.ge [sflag:s1], $0x800  }
0x81: {  	[sflag:s1] =	ssyncset.done $0x0  }
0x82: {  	s5 =	simm.s32 $0x0;
	[sflag:s1] =	ssyncadd.s32 $0xFFFFF800  }
.LBB2_4:
0x83: {  	s6 =	sshll.u32 s5, $0x7  }
0x84: {  	s8 =	sor.u32 $0x30, s6;
	s10 =	sor.u32 $0x40, s6;
	s12 =	sor.u32 $0x50, s6  }
0x85: {  	v4 =	vmov s8;
	v5 =	vmov s10;
	v6 =	vmov s12  }
0x86: {  	s17 =	simm.s32 $0x1;
	v4 =	vshll.u32 v4, $0x6;
	v5 =	vshll.u32 v5, $0x6;
	v10 =	vshll.u32 v6, $0x6  }
0x87: {  	v6 =	vor.u32 v0, v4;
	v4 =	vor.u32 v0, v5;
	v5 =	vmov s17  }
0x88: {  	v1 =	vmov s6;
	v5 =	vand.u32 $0x3F, v5  }
0x89: {  	v1 =	vshll.u32 v1, $0x6;
	v16 =	vbroadcast v5, $0x0  }
0x8a: {  	s7 =	sand.u32 $0x1, s5;
	p0 =	seq.s32 s5, $0x7;
	s3 =	rddreg [dreg:$0xd];
	v15 =	vor.u32 v0, v1  }
0x8b: {  	s18 =	simm.s32 $0x0;
	s2 =	sor.u32 $0x10, s6;
	s13 =	sor.u32 $0x60, s6;
	v5 =	vor.u32 v15, v16  }
0x8c: {  	s3 =	sadd.s32 @!p0 s3, s6;
	s9 =	sshll.u32 @!p0 s7, $0xB;
	s14 =	sor.u32 $0x70, s6;
	v2 =	vmov s2;
	v7 =	vmov s13  }
0x8d: {  	s9 =	sxor.u32 @!p0 $0x800, s9;
	s3 =	sshrl.u32 @!p0 s3, $0x3;
	s8 =	simm.s32 @!p0 $0x400;
	v2 =	vshll.u32 v2, $0x6;
	v7 =	vshll.u32 v7, $0x6  }
0x8e: {  	s9 =	sadd.s32 @!p0 $0x17850, s9;
	s2 =	sadd.s32 @!p0 s15, s3;
	s3 =	simm.s32 @!p0 $0x80;
	v11 =	vor.u32 v0, v2;
	v2 =	vor.u32 v0, v7;
	v7 =	vmov s18  }
0x8f: {  	[tilespmem:s9], [sflag:$0x5] =	stream.strided.gather @!p0 [hbm4b:s2+s3], $0x800, s8, s3, $0x38;
	v7 =	vand.u32 $0x3E, v7;
	[tilespmem:$0x1C850] =	vst v63  }
0x90: {  	v8 =	vmov s14;
	v14 =	vbroadcast v7, $0x0;
	v5 =	vld.idx.msk [tilespmem:v5+s25+$0x0], $0xffff  }
0x91: {  	v8 =	vshll.u32 v8, $0x6;
	v7 =	vor.u32 v11, v16  }
0x92: {  	v1 =	vor.u32 v0, v8;
	v8 =	vor.u32 v15, v14  }
0x93: {  	s4 =	sor.u32 $0x20, s6  }
0x94: {  	s19 =	simm.s32 $0x3;
	v3 =	vmov s4;
	s9 =	simm.s32 $0x158D0  }
0x95: {  	v3 =	vshll.u32 v3, $0x6;
	[tilespmem:s9+$0x0] =	vst v5;
	v5 =	vmov s19  }
0x96: {  	v9 =	vor.u32 v0, v3;
	v7 =	vld.idx.msk [tilespmem:v7+s25+$0x0], $0xffff;
	v5 =	vand.u32 $0x3F, v5  }
0x97: {  	s23 =	simm.s32 $0x2;
	v3 =	vor.u32 v0, v10;
	v10 =	vor.u32 v9, v16;
	v8 =	vld.idx.msk [tilespmem:v8+s25+$0x0], $0xffff;
	v12 =	vbroadcast v5, $0x0  }
0x98: {  	v13 =	vor.u32 v11, v14;
	v5 =	vmov s23  }
0x99: {  	v5 =	vand.u32 $0x3E, v5;
	v17 =	vor.u32 v15, v12  }
0x9a: {  	v5 =	vbroadcast v5, $0x0  }
0x9b: {  	[tilespmem:s9+$0x10] =	vst v7  }
0x9c: {  	[tilespmem:s9+$0xFFFFFF80] =	vst v8;
	v7 =	vor.u32 v15, v5;
	v8 =	vld.idx.msk [tilespmem:v10+s25+$0x0], $0xffff  }
0x9d: {  	v10 =	vld.idx.msk [tilespmem:v13+s25+$0x0], $0xffff;
	v13 =	vor.u32 v6, v16  }
0x9e: {  	v18 =	vor.u32 v9, v14;
	v17 =	vld.idx.msk [tilespmem:v17+s25+$0x0], $0xffff  }
0x9f: {  	v19 =	vor.u32 v11, v12;
	_ =	sdelay $0x1  }
0xa0: {  	v20 =	vld.idx.msk [tilespmem:v7+s25+$0x0], $0xffff;
	[tilespmem:s9+$0x20] =	vst v8  }
0xa1: {  	s24 =	simm.s32 $0x5;
	s28 =	simm.s32 $0x4;
	s3 =	simm.s32 $0x159D0;
	[tilespmem:s9+$0xFFFFFF90] =	vst v10;
	v10 =	vor.u32 v11, v5;
	v13 =	vld.idx.msk [tilespmem:v13+s25+$0x0], $0xffff  }
0xa2: {  	v7 =	vmov s24;
	v8 =	vmov s28;
	v18 =	vld.idx.msk [tilespmem:v18+s25+$0x0], $0xffff;
	[tilespmem:s3+$0x0] =	vst v17;
	v17 =	vor.u32 v4, v16  }
0xa3: {  	v22 =	vor.u32 v6, v14;
	v7 =	vand.u32 $0x3F, v7;
	v21 =	vand.u32 $0x3E, v8;
	v19 =	vld.idx.msk [tilespmem:v19+s25+$0x0], $0xffff  }
0xa4: {  	v8 =	vbroadcast v7, $0x0;
	v7 =	vbroadcast v21, $0x0;
	v21 =	vor.u32 v9, v12  }
0xa5: {  	[tilespmem:s3+$0xFFFFFF80] =	vst v20  }
0xa6: {  	v20 =	vor.u32 v15, v8;
	v24 =	vld.idx.msk [tilespmem:v10+s25+$0x0], $0xffff;
	[tilespmem:s9+$0x30] =	vst v13  }
0xa7: {  	v23 =	vor.u32 v15, v7;
	[tilespmem:s9+$0xFFFFFFA0] =	vst v18;
	v13 =	vld.idx.msk [tilespmem:v17+s25+$0x0], $0xffff  }
0xa8: {  	s29 =	simm.s32 $0x6;
	v18 =	vld.idx.msk [tilespmem:v22+s25+$0x0], $0xffff;
	[tilespmem:s3+$0x10] =	vst v19;
	v19 =	vor.u32 v3, v16  }
0xa9: {  	v10 =	vmov s29;
	v22 =	vor.u32 v4, v14;
	v21 =	vld.idx.msk [tilespmem:v21+s25+$0x0], $0xffff  }
0xaa: {  	v10 =	vand.u32 $0x3E, v10;
	v17 =	vor.u32 v9, v5  }
0xab: {  	v25 =	vor.u32 v6, v12;
	v10 =	vbroadcast v10, $0x0;
	v20 =	vld.idx.msk [tilespmem:v20+s25+$0x0], $0xffff;
	[tilespmem:s3+$0xFFFFFF90] =	vst v24  }
0xac: {  	v23 =	vld.idx.msk [tilespmem:v23+s25+$0x0], $0xffff;
	v24 =	vor.u32 v11, v8;
	[tilespmem:s9+$0x40] =	vst v13  }
0xad: {  	v13 =	vor.u32 v15, v10;
	[tilespmem:s9+$0xFFFFFFB0] =	vst v18;
	v18 =	vld.idx.msk [tilespmem:v19+s25+$0x0], $0xffff  }
0xae: {  	[tilespmem:s3+$0x20] =	vst v21;
	v21 =	vld.idx.msk [tilespmem:v22+s25+$0x0], $0xffff;
	v22 =	vor.u32 v2, v16  }
0xaf: {  	s10 =	simm.s32 $0x15AD0;
	v26 =	vld.idx.msk [tilespmem:v17+s25+$0x0], $0xffff;
	v19 =	vor.u32 v11, v7  }
0xb0: {  	s30 =	simm.s32 $0x7;
	[tilespmem:s10+$0x0] =	vst v20;
	v20 =	vor.u32 v6, v5;
	v25 =	vld.idx.msk [tilespmem:v25+s25+$0x0], $0xffff  }
0xb1: {  	v27 =	vor.u32 v4, v12;
	v17 =	vmov s30;
	[tilespmem:s10+$0xFFFFFF80] =	vst v23;
	v24 =	vld.idx.msk [tilespmem:v24+s25+$0x0], $0xffff  }
0xb2: {  	v28 =	vand.u32 $0x3F, v17;
	v23 =	vor.u32 v3, v14;
	v17 =	vld.idx.msk [tilespmem:v13+s25+$0x0], $0xffff;
	[tilespmem:s9+$0x50] =	vst v18  }
0xb3: {  	v13 =	vbroadcast v28, $0x0;
	v28 =	vor.u32 v9, v8;
	v18 =	vld.idx.msk [tilespmem:v22+s25+$0x0], $0xffff  }
0xb4: {  	v16 =	vor.u32 v1, v16;
	[tilespmem:s3+$0xFFFFFFA0] =	vst v26;
	v19 =	vld.idx.msk [tilespmem:v19+s25+$0x0], $0xffff  }
0xb5: {  	v22 =	vor.u32 v15, v13;
	v20 =	vld.idx.msk [tilespmem:v20+s25+$0x0], $0xffff;
	[tilespmem:s3+$0x30] =	vst v25  }
0xb6: {  	[tilespmem:s9+$0xFFFFFFC0] =	vst v21;
	v21 =	vor.u32 v9, v7;
	v25 =	vld.idx.msk [tilespmem:v27+s25+$0x0], $0xffff  }
0xb7: {  	s31 =	simm.s32 $0x8;
	v26 =	vor.u32 v3, v12;
	[tilespmem:s10+$0x10] =	vst v24;
	v24 =	vld.idx.msk [tilespmem:v23+s25+$0x0], $0xffff  }
0xb8: {  	v29 =	vor.u32 v4, v5;
	v27 =	vld.idx.msk [tilespmem:v28+s25+$0x0], $0xffff;
	[tilespmem:s9+$0x60] =	vst v18;
	v18 =	vmov s31  }
0xb9: {  	v32 =	vor.u32 v2, v14;
	v23 =	vld.idx.msk [tilespmem:v16+s25+$0x0], $0xffff;
	v16 =	vand.u32 $0x3E, v18  }
0xba: {  	v31 =	vor.u32 v6, v8;
	[tilespmem:s10+$0xFFFFFF90] =	vst v19;
	v30 =	vld.idx.msk [tilespmem:v22+s25+$0x0], $0xffff;
	v16 =	vbroadcast v16, $0x0  }
0xbb: {  	v28 =	vor.u32 v11, v13;
	v19 =	vld.idx.msk [tilespmem:v21+s25+$0x0], $0xffff;
	[tilespmem:s3+$0x40] =	vst v25  }
0xbc: {  	[tilespmem:s3+$0xFFFFFFB0] =	vst v20;
	v22 =	vld.idx.msk [tilespmem:v26+s25+$0x0], $0xffff;
	v26 =	vor.u32 v15, v16  }
0xbd: {  	v18 =	vld.idx.msk [tilespmem:v29+s25+$0x0], $0xffff;
	[tilespmem:s9+$0xFFFFFFD0] =	vst v24;
	v24 =	vor.u32 v11, v10  }
0xbe: {  	s12 =	simm.s32 $0x15BD0;
	v25 =	vor.u32 v2, v12;
	v20 =	vld.idx.msk [tilespmem:v32+s25+$0x0], $0xffff;
	[tilespmem:s10+$0x20] =	vst v27  }
0xbf: {  	s13 =	simm.s32 $0x9;
	s2 =	simm.s32 $0xA;
	v27 =	vor.u32 v6, v7;
	v21 =	vld.idx.msk [tilespmem:v31+s25+$0x0], $0xffff;
	[tilespmem:s12+$0x0] =	vst v30  }
.LBB2_5:
0xc0: {  	p1 =	slt.u32 s2, $0x3E;
	v29 =	vmov s13;
	v28 =	vld.idx.msk [tilespmem:v28+s25+$0x0], $0xffff;
	v30 =	vor.u32 v4, v8;
	[tilespmem:s9+$0x70] =	vst v23;
	s8 =	smov.u32 s12  }
0xc1: {  	v23 =	vand.u32 $0x3F, v29;
	[tilespmem:s12+$0xFFFFFF80] =	vst v17;
	v17 =	vld.idx.msk [tilespmem:v26+s25+$0x0], $0xffff;
	v26 =	vor.u32 v3, v5  }
0xc2: {  	v29 =	vor.u32 v9, v13;
	v23 =	vbroadcast v23, $0x0;
	v24 =	vld.idx.msk [tilespmem:v24+s25+$0x0], $0xffff;
	[tilespmem:s3+$0x50] =	vst v22  }
0xc3: {  	v22 =	vor.u32 v1, v14;
	v14 =	vmovc v5;
	v5 =	vmov v7;
	v7 =	vmov v10;
	[tilespmem:s10+$0xFFFFFFA0] =	vst v19;
	v19 =	vld.idx.msk [tilespmem:v25+s25+$0x0], $0xffff  }
0xc4: {  	v10 =	vmov v16;
	v25 =	vor.u32 v15, v23;
	v27 =	vld.idx.msk [tilespmem:v27+s25+$0x0], $0xffff;
	[tilespmem:s10+$0x30] =	vst v21  }
0xc5: {  	v21 =	vld.idx.msk [tilespmem:v30+s25+$0x0], $0xffff;
	[tilespmem:s3+$0xFFFFFFC0] =	vst v18;
	v18 =	vor.u32 v1, v12;
	v12 =	vmovc v8;
	v8 =	vmov v13;
	v13 =	vmov v23  }
0xc6: {  	v30 =	vor.u32 v9, v7;
	[tilespmem:s12+$0x10] =	vst v28;
	v31 =	vld.idx.msk [tilespmem:v26+s25+$0x0], $0xffff  }
0xc7: {  	v32 =	vor.u32 v3, v12;
	v29 =	vld.idx.msk [tilespmem:v29+s25+$0x0], $0xffff;
	[tilespmem:s9+$0xFFFFFFE0] =	vst v20  }
0xc8: {  	v16 =	vmov s2;
	v20 =	vor.u32 v4, v5;
	[tilespmem:s12+$0xFFFFFF90] =	vst v24;
	v33 =	vld.idx.msk [tilespmem:v22+s25+$0x0], $0xffff  }
0xc9: {  	v16 =	vand.u32 $0x3E, v16;
	v34 =	vld.idx.msk [tilespmem:v25+s25+$0x0], $0xffff;
	v25 =	vor.u32 v6, v8;
	[tilespmem:s3+$0x60] =	vst v19  }
0xca: {  	v35 =	vor.u32 v2, v14;
	v16 =	vbroadcast v16, $0x0;
	[tilespmem:s10+$0xFFFFFFB0] =	vst v27;
	v23 =	vld.idx.msk [tilespmem:v18+s25+$0x0], $0xffff  }
.Ltmp3:
0xcb: {  	v28 =	vor.u32 v11, v13;
	v19 =	vld.idx.msk [tilespmem:v30+s25+$0x0], $0xffff;
	[tilespmem:s10+$0x40] =	vst v21;
	(pc) =	sbr.rel @p1 .LBB2_5-.Ltmp3, $4  }
0xcc: {  	v26 =	vor.u32 v15, v16;
	v22 =	vld.idx.msk [tilespmem:v32+s25+$0x0], $0xffff;
	[tilespmem:s3+$0xFFFFFFD0] =	vst v31  }
0xcd: {  	v24 =	vor.u32 v11, v10;
	[tilespmem:s12+$0x20] =	vst v29;
	v18 =	vld.idx.msk [tilespmem:v20+s25+$0x0], $0xffff  }
0xce: {  	s12 =	sadd.s32 $0x100, s12;
	v21 =	vld.idx.msk [tilespmem:v25+s25+$0x0], $0xffff;
	v25 =	vor.u32 v2, v12;
	[tilespmem:s9+$0xFFFFFFF0] =	vst v33;
	s9 =	smov.u32 s3;
	s3 =	smov.u32 s10  }
0xcf: {  	s13 =	sadd.s32 $0x1, s2;
	s2 =	sadd.s32 $0x2, s2;
	v27 =	vor.u32 v6, v7;
	s10 =	smov.u32 s8;
	[tilespmem:s12+$0x0] =	vst v34;
	v20 =	vld.idx.msk [tilespmem:v35+s25+$0x0], $0xffff  }
0xd0: {  	v29 =	vmov s13  }
0xd1: {  	v29 =	vand.u32 $0x3F, v29  }
0xd2: {  	v29 =	vbroadcast v29, $0x0;
	_ =	sdelay $0x1  }
0xd3: {  	v15 =	vor.u32 v15, v29;
	_ =	sdelay $0x1  }
0xd4: {  	[tilespmem:s9+$0x70] =	vst v23  }
0xd5: {  	[tilespmem:s12+$0xFFFFFF80] =	vst v17  }
0xd6: {  	[tilespmem:s10+$0xFFFFFFA0] =	vst v19;
	v54 =	vld.idx.msk [tilespmem:v26+s25+$0x0], $0xffff  }
0xd7: {  	v57 =	vor.u32 v11, v16;
	[tilespmem:s3+$0x50] =	vst v22;
	v15 =	vld.idx.msk [tilespmem:v15+s25+$0x0], $0xffff  }
0xd8: {  	v52 =	vld.idx.msk [tilespmem:v28+s25+$0x0], $0xffff;
	[tilespmem:s3+$0xFFFFFFC0] =	vst v18;
	v55 =	vor.u32 v11, v29  }
0xd9: {  	v53 =	vor.u32 v4, v8;
	v56 =	vld.idx.msk [tilespmem:v24+s25+$0x0], $0xffff;
	[tilespmem:s10+$0x30] =	vst v21  }
0xda: {  	v58 =	vor.u32 v3, v5;
	s2 =	sadd.s32 $0x100, s12;
	v61 =	vld.idx.msk [tilespmem:v27+s25+$0x0], $0xffff;
	[tilespmem:s9+$0xFFFFFFE0] =	vst v20  }
0xdb: {  	v14 =	vor.u32 v1, v14;
	v59 =	vld.idx.msk [tilespmem:v25+s25+$0x0], $0xffff;
	[tilespmem:s2+$0xFFFFFF80] =	vst v54  }
0xdc: {  	v60 =	vor.u32 v9, v13;
	v11 =	vld.idx.msk [tilespmem:v57+s25+$0x0], $0xffff;
	[tilespmem:s2+$0x0] =	vst v15  }
0xdd: {  	v27 =	vor.u32 v9, v16;
	[tilespmem:s12+$0x10] =	vst v52;
	v63 =	vld.idx.msk [tilespmem:v55+s25+$0x0], $0xffff  }
0xde: {  	v26 =	vor.u32 v9, v29;
	v17 =	vld.idx.msk [tilespmem:v53+s25+$0x0], $0xffff;
	[tilespmem:s12+$0xFFFFFF90] =	vst v56  }
0xdf: {  	v62 =	vor.u32 v9, v10;
	v18 =	vld.idx.msk [tilespmem:v58+s25+$0x0], $0xffff;
	[tilespmem:s10+$0xFFFFFFB0] =	vst v61  }
0xe0: {  	v35 =	vor.u32 v4, v7;
	v14 =	vld.idx.msk [tilespmem:v14+s25+$0x0], $0xffff;
	[tilespmem:s3+$0x60] =	vst v59  }
0xe1: {  	v12 =	vor.u32 v1, v12;
	v28 =	vld.idx.msk [tilespmem:v60+s25+$0x0], $0xffff;
	[tilespmem:s2+$0xFFFFFF90] =	vst v11  }
0xe2: {  	v31 =	vor.u32 v6, v13;
	v9 =	vld.idx.msk [tilespmem:v27+s25+$0x0], $0xffff;
	[tilespmem:s2+$0x10] =	vst v63  }
0xe3: {  	v34 =	vor.u32 v6, v16;
	[tilespmem:s10+$0x40] =	vst v17;
	v19 =	vld.idx.msk [tilespmem:v26+s25+$0x0], $0xffff  }
0xe4: {  	v33 =	vor.u32 v6, v29;
	[tilespmem:s3+$0xFFFFFFD0] =	vst v18;
	v15 =	vld.idx.msk [tilespmem:v62+s25+$0x0], $0xffff  }
0xe5: {  	v32 =	vor.u32 v6, v10;
	v41 =	vld.idx.msk [tilespmem:v35+s25+$0x0], $0xffff;
	[tilespmem:s9+$0xFFFFFFF0] =	vst v14  }
0xe6: {  	v30 =	vor.u32 v3, v8;
	v12 =	vld.idx.msk [tilespmem:v12+s25+$0x0], $0xffff;
	[tilespmem:s12+$0x20] =	vst v28  }
0xe7: {  	v37 =	vor.u32 v2, v5;
	v17 =	vld.idx.msk [tilespmem:v31+s25+$0x0], $0xffff;
	[tilespmem:s2+$0xFFFFFFA0] =	vst v9  }
0xe8: {  	v38 =	vor.u32 v4, v13;
	v6 =	vld.idx.msk [tilespmem:v34+s25+$0x0], $0xffff;
	[tilespmem:s2+$0x20] =	vst v19  }
0xe9: {  	v42 =	vor.u32 v4, v16;
	[tilespmem:s12+$0xFFFFFFA0] =	vst v15;
	v11 =	vld.idx.msk [tilespmem:v33+s25+$0x0], $0xffff  }
0xea: {  	v40 =	vor.u32 v4, v29;
	[tilespmem:s10+$0xFFFFFFC0] =	vst v41;
	v20 =	vld.idx.msk [tilespmem:v32+s25+$0x0], $0xffff  }
0xeb: {  	v39 =	vor.u32 v4, v10;
	v36 =	vld.idx.msk [tilespmem:v30+s25+$0x0], $0xffff;
	[tilespmem:s3+$0x70] =	vst v12  }
0xec: {  	v44 =	vor.u32 v3, v7;
	v14 =	vld.idx.msk [tilespmem:v37+s25+$0x0], $0xffff;
	[tilespmem:s12+$0x30] =	vst v17  }
0xed: {  	v43 =	vor.u32 v2, v8;
	v15 =	vld.idx.msk [tilespmem:v38+s25+$0x0], $0xffff;
	[tilespmem:s2+$0xFFFFFFB0] =	vst v6  }
0xee: {  	v45 =	vor.u32 v3, v13;
	v46 =	vor.u32 v3, v10;
	v4 =	vld.idx.msk [tilespmem:v42+s25+$0x0], $0xffff;
	[tilespmem:s2+$0x30] =	vst v11  }
0xef: {  	v47 =	vor.u32 v3, v29;
	v3 =	vor.u32 v3, v16;
	[tilespmem:s12+$0xFFFFFFB0] =	vst v20;
	v9 =	vld.idx.msk [tilespmem:v40+s25+$0x0], $0xffff  }
0xf0: {  	[tilespmem:s10+$0x50] =	vst v36;
	v19 =	vld.idx.msk [tilespmem:v39+s25+$0x0], $0xffff  }
0xf1: {  	v50 =	vld.idx.msk [tilespmem:v44+s25+$0x0], $0xffff;
	[tilespmem:s3+$0xFFFFFFE0] =	vst v14  }
0xf2: {  	v49 =	vor.u32 v1, v5;
	v48 =	vld.idx.msk [tilespmem:v43+s25+$0x0], $0xffff;
	[tilespmem:s12+$0x40] =	vst v15  }
0xf3: {  	v51 =	vor.u32 v2, v7;
	v52 =	vld.idx.msk [tilespmem:v45+s25+$0x0], $0xffff;
	[tilespmem:s2+$0xFFFFFFC0] =	vst v4  }
0xf4: {  	v53 =	vor.u32 v2, v13;
	v54 =	vor.u32 v2, v10;
	v3 =	vld.idx.msk [tilespmem:v3+s25+$0x0], $0xffff;
	[tilespmem:s2+$0x40] =	vst v9  }
0xf5: {  	v55 =	vor.u32 v2, v29;
	v2 =	vor.u32 v2, v16;
	[tilespmem:s12+$0xFFFFFFC0] =	vst v19;
	v6 =	vld.idx.msk [tilespmem:v47+s25+$0x0], $0xffff  }
0xf6: {  	[tilespmem:s10+$0xFFFFFFD0] =	vst v50;
	v11 =	vld.idx.msk [tilespmem:v46+s25+$0x0], $0xffff  }
0xf7: {  	v5 =	vld.idx.msk [tilespmem:v49+s25+$0x0], $0xffff;
	[tilespmem:s10+$0x60] =	vst v48  }
0xf8: {  	v56 =	vor.u32 v1, v8;
	v57 =	vld.idx.msk [tilespmem:v51+s25+$0x0], $0xffff;
	[tilespmem:s12+$0x50] =	vst v52  }
0xf9: {  	v59 =	vor.u32 v1, v7;
	v58 =	vld.idx.msk [tilespmem:v53+s25+$0x0], $0xffff;
	[tilespmem:s2+$0xFFFFFFD0] =	vst v3  }
0xfa: {  	v60 =	vor.u32 v1, v13;
	v61 =	vor.u32 v1, v10;
	v2 =	vld.idx.msk [tilespmem:v2+s25+$0x0], $0xffff;
	[tilespmem:s2+$0x50] =	vst v6  }
0xfb: {  	v3 =	vor.u32 v1, v29;
	v1 =	vor.u32 v1, v16;
	[tilespmem:s12+$0xFFFFFFD0] =	vst v11;
	v4 =	vld.idx.msk [tilespmem:v55+s25+$0x0], $0xffff  }
0xfc: {  	[tilespmem:s3+$0xFFFFFFF0] =	vst v5;
	v9 =	vld.idx.msk [tilespmem:v54+s25+$0x0], $0xffff  }
0xfd: {  	v62 =	vld.idx.msk [tilespmem:v56+s25+$0x0], $0xffff;
	[tilespmem:s10+$0xFFFFFFE0] =	vst v57  }
0xfe: {  	v7 =	vld.idx.msk [tilespmem:v59+s25+$0x0], $0xffff;
	[tilespmem:s12+$0x60] =	vst v58  }
0xff: {  	v63 =	vld.idx.msk [tilespmem:v60+s25+$0x0], $0xffff;
	[tilespmem:s2+$0xFFFFFFE0] =	vst v2  }
0x100: {  	v1 =	vld.idx.msk [tilespmem:v1+s25+$0x0], $0xffff;
	[tilespmem:s2+$0x60] =	vst v4  }
0x101: {  	[tilespmem:s12+$0xFFFFFFE0] =	vst v9;
	v3 =	vld.idx.msk [tilespmem:v3+s25+$0x0], $0xffff  }
0x102: {  	[tilespmem:s10+$0x70] =	vst v62;
	v6 =	vld.idx.msk [tilespmem:v61+s25+$0x0], $0xffff  }
0x103: {  	[tilespmem:s10+$0xFFFFFFF0] =	vst v7  }
0x104: {  	[tilespmem:s12+$0x70] =	vst v63  }
0x105: {  	s30 =	sshll.u32 s7, $0xB;
	[tilespmem:s2+$0xFFFFFFF0] =	vst v1  }
0x106: {  	s31 =	rddreg [dreg:$0x3];
	s7 =	simm.s32 $0x0;
	[tilespmem:s2+$0x70] =	vst v3;
	s2 =	sadd.s32 $0x17850, s30  }
0x107: {  	p1 =	por $0x0, $0x0;
	s6 =	sadd.s32 s31, s6;
	s9 =	simm.s32 $0x0;
	[tilespmem:s12+$0xFFFFFFF0] =	vst v6;
	v1 =	vmov s2  }
.LBB2_7:
0x108: {  	_ =	sdelay $0x1  }
0x109: {  	s2 =	sshll.u32 s9, $0x7  }
0x10a: {  	s2 =	sand.u32 $0x3FFFFF80, s2  }
0x10b: {  	v14 =	vld.idx.msk [tilespmem:v1+s2+$0x0 ss:$0x1], $0xffff  }
0x10c: {  	v13 =	vld.idx.msk [tilespmem:v1+s2+$0x10 ss:$0x1], $0xffff  }
0x10d: {  	v12 =	vld.idx.msk [tilespmem:v1+s2+$0x20 ss:$0x1], $0xffff  }
0x10e: {  	v10 =	vld.idx.msk [tilespmem:v1+s2+$0x30 ss:$0x1], $0xffff  }
0x10f: {  	s3 =	sor.u32 s11, s9;
	s8 =	simm.s32 $0x1;
	v9 =	vld.idx.msk [tilespmem:v1+s2+$0x40 ss:$0x1], $0xffff  }
0x110: {  	s3 =	sshll.u32 s3, $0x6;
	v2 =	vmov s8;
	v6 =	vld.idx.msk [tilespmem:v1+s2+$0x50 ss:$0x1], $0xffff  }
0x111: {  	s10 =	sand.u32 $0x1, s9;
	p2 =	slt.u32 s9, $0x2;
	v5 =	vld.idx.msk [tilespmem:v1+s2+$0x60 ss:$0x1], $0xffff;
	v15 =	vmov s3;
	v3 =	vand.u32 $0x3F, v2  }
0x112: {  	v2 =	vld.idx.msk [tilespmem:v1+s2+$0x70 ss:$0x1], $0xffff;
	s2 =	sadd.s32 @!p2 $0x3, s10;
	v3 =	vor.u32 v15, v3  }
0x113: {  	_ =	swait.ge @!p2 [sflag:s2], $0x2000;
	v3 =	vbroadcast v3, $0x0  }
0x114: {  	v4 =	vmov s7;
	[sflag:s2] =	ssyncset.done @!p2 $0x0  }
0x115: {  	s17 =	simm.s32 $0x158D0;
	v4 =	vand.u32 $0x3E, v4;
	[sflag:s2] =	ssyncadd.s32 @!p2 $0xFFFFE000  }
0x116: {  	s14 =	simm.s32 $0x11850;
	v4 =	vor.u32 v15, v4;
	v7 =	vld [tilespmem:s17+$0x0]  }
0x117: {  	v4 =	vbroadcast v4, $0x0;
	v8 =	vld.idx.msk [tilespmem:v14+s14+$0x100], $0xffff;
	_ =	sdelay $0x1  }
0x118: {  	v3 =	vld.idx.msk [tilespmem:v3+s20+$0x0], $0xffff  }
0x119: {  	s23 =	sshll.u32 s10, $0xD;
	v17 =	vld [tilespmem:s17+$0xFFFFFF80]  }
0x11a: {  	v16 =	vmov s23;
	v11 =	vld.idx.msk [tilespmem:v14+s14+$0x0], $0xffff  }
0x11b: {  	v7 =	vadd.f32 v7, v8  }
0x11c: {  	s29 =	simm.s32 $0x80;
	s4 =	simm.s32 $0x0;
	v4 =	vld.idx.msk [tilespmem:v4+s20+$0x0], $0xffff  }
0x11d: {  	s3 =	sand.u32 $0x1C00, s4;
	s2 =	sand.u32 $0x380, s29;
	v7 =	vadd.f32 v7, v3  }
0x11e: {  	s2 =	sor.u32 s2, s3  }
0x11f: {  	s3 =	simm.s32 $0x1;
	[tilespmem:v16+s2+$0x18850 ss:$0x1] =	vst.idx.msk $0xffff, v7;
	v7 =	vadd.f32 v17, v11  }
0x120: {  	s3 =	simm.s32 @!p1 $0x0;
	v8 =	vld [tilespmem:s17+$0x10]  }
0x121: {  	s3 =	sshll.u32 s3, $0xD;
	v11 =	vld.idx.msk [tilespmem:v13+s14+$0x100], $0xffff;
	v7 =	vadd.f32 v7, v4  }
0x122: {  	s12 =	sor.u32 $0x18890, s3  }
0x123: {  	[tilespmem:s12+$0xFFFFFFC0] =	vst v7  }
0x124: {  	v7 =	vld.idx.msk [tilespmem:v13+s14+$0x0], $0xffff  }
0x125: {  	v17 =	vld [tilespmem:s17+$0xFFFFFF90]  }
0x126: {  	v8 =	vadd.f32 v8, v11;
	_ =	sdelay $0x1  }
0x127: {  	s8 =	simm.s32 $0x2;
	s2 =	sadd.s32 s23, s2;
	v8 =	vadd.f32 v8, v3  }
0x128: {  	s19 =	sadd.s32 $0x18850, s2;
	v11 =	vmov s8  }
0x129: {  	v11 =	vand.u32 $0x3E, v11;
	v7 =	vadd.f32 v17, v7;
	[tilespmem:s19+$0x10] =	vst v8  }
0x12a: {  	s13 =	simm.s32 $0x3;
	v8 =	vor.u32 v15, v11;
	v11 =	vld.idx.msk [tilespmem:v12+s14+$0x100], $0xffff  }
0x12b: {  	v17 =	vmov s13;
	v18 =	vld [tilespmem:s17+$0x20];
	v7 =	vadd.f32 v7, v4  }
0x12c: {  	v17 =	vand.u32 $0x3F, v17  }
0x12d: {  	v8 =	vbroadcast v8, $0x0;
	v17 =	vor.u32 v15, v17;
	[tilespmem:s12+$0xFFFFFFD0] =	vst v7  }
0x12e: {  	v17 =	vbroadcast v17, $0x0;
	v19 =	vld.idx.msk [tilespmem:v12+s14+$0x0], $0xffff  }
0x12f: {  	v20 =	vld [tilespmem:s17+$0xFFFFFFA0]  }
0x130: {  	s28 =	simm.s32 $0x11A50;
	v11 =	vadd.f32 v18, v11  }
0x131: {  	s3 =	simm.s32 $0x159D0;
	v21 =	vld.idx.msk [tilespmem:v14+s28+$0x100], $0xffff  }
0x132: {  	v18 =	vld [tilespmem:s3+$0x0];
	v11 =	vadd.f32 v11, v3  }
0x133: {  	v7 =	vld.idx.msk [tilespmem:v8+s20+$0x0], $0xffff  }
0x134: {  	v8 =	vld.idx.msk [tilespmem:v17+s20+$0x0], $0xffff;
	v17 =	vadd.f32 v20, v19;
	[tilespmem:s19+$0x20] =	vst v11  }
0x135: {  	v11 =	vld [tilespmem:s17+$0x30]  }
0x136: {  	v19 =	vld.idx.msk [tilespmem:v10+s14+$0x100], $0xffff;
	v17 =	vadd.f32 v17, v4  }
0x137: {  	v20 =	vld.idx.msk [tilespmem:v14+s28+$0x0], $0xffff  }
0x138: {  	[tilespmem:s12+$0xFFFFFFE0] =	vst v17;
	v17 =	vld [tilespmem:s3+$0xFFFFFF80]  }
0x139: {  	v18 =	vadd.f32 v18, v21;
	v21 =	vld.idx.msk [tilespmem:v10+s14+$0x0], $0xffff  }
0x13a: {  	s18 =	simm.s32 $0x100;
	s8 =	simm.s32 $0x180;
	v22 =	vld [tilespmem:s17+$0xFFFFFFB0]  }
0x13b: {  	s2 =	sand.u32 $0x1C00, s18;
	s13 =	sand.u32 $0x380, s8;
	v18 =	vadd.f32 v18, v8;
	v11 =	vadd.f32 v11, v19  }
0x13c: {  	s2 =	sor.u32 s13, s2  }
0x13d: {  	[tilespmem:v16+s2+$0x18850 ss:$0x1] =	vst.idx.msk $0xffff, v18;
	v11 =	vadd.f32 v11, v3;
	v17 =	vadd.f32 v17, v20  }
0x13e: {  	s24 =	simm.s32 $0x4;
	v18 =	vld [tilespmem:s3+$0x10]  }
0x13f: {  	v19 =	vld.idx.msk [tilespmem:v13+s28+$0x100], $0xffff;
	v20 =	vmov s24;
	[tilespmem:s19+$0x30] =	vst v11;
	v11 =	vadd.f32 v17, v7;
	v17 =	vadd.f32 v22, v21  }
0x140: {  	s13 =	sadd.s32 $0x100, s12;
	v20 =	vand.u32 $0x3E, v20;
	v21 =	vld.idx.msk [tilespmem:v9+s14+$0x100], $0xffff  }
0x141: {  	[tilespmem:s13+$0xFFFFFFC0] =	vst v11;
	v11 =	vadd.f32 v17, v4;
	v17 =	vor.u32 v15, v20;
	v20 =	vld [tilespmem:s17+$0x40]  }
0x142: {  	v17 =	vbroadcast v17, $0x0;
	v22 =	vld.idx.msk [tilespmem:v13+s28+$0x0], $0xffff  }
0x143: {  	v23 =	vld [tilespmem:s3+$0xFFFFFF90];
	[tilespmem:s12+$0xFFFFFFF0] =	vst v11  }
0x144: {  	v11 =	vadd.f32 v18, v19;
	v18 =	vld.idx.msk [tilespmem:v9+s14+$0x0], $0xffff  }
0x145: {  	v19 =	vld [tilespmem:s17+$0xFFFFFFC0];
	_ =	sdelay $0x1  }
0x146: {  	v20 =	vadd.f32 v20, v21  }
0x147: {  	s2 =	sadd.s32 s23, s2;
	v24 =	vadd.f32 v11, v8;
	v11 =	vld.idx.msk [tilespmem:v17+s20+$0x0], $0xffff;
	v17 =	vadd.f32 v23, v22  }
0x148: {  	s24 =	sadd.s32 $0x18850, s2;
	v20 =	vadd.f32 v20, v3  }
0x149: {  	[tilespmem:s24+$0x10] =	vst v24;
	v19 =	vadd.f32 v19, v18;
	v17 =	vadd.f32 v17, v7  }
0x14a: {  	s29 =	simm.s32 $0x5;
	v23 =	vld.idx.msk [tilespmem:v12+s28+$0x100], $0xffff;
	[tilespmem:s19+$0x40] =	vst v20  }
0x14b: {  	v25 =	vld [tilespmem:s3+$0x20];
	[tilespmem:s13+$0xFFFFFFD0] =	vst v17;
	v17 =	vadd.f32 v19, v4;
	v19 =	vmov s29  }
0x14c: {  	v18 =	vld.idx.msk [tilespmem:v6+s14+$0x100], $0xffff;
	v19 =	vand.u32 $0x3F, v19  }
0x14d: {  	v20 =	vld [tilespmem:s17+$0x50];
	v19 =	vor.u32 v15, v19  }
0x14e: {  	v21 =	vld.idx.msk [tilespmem:v12+s28+$0x0], $0xffff;
	v24 =	vbroadcast v19, $0x0  }
0x14f: {  	v22 =	vld [tilespmem:s3+$0xFFFFFFA0];
	[tilespmem:s12+$0x0] =	vst v17  }
0x150: {  	v23 =	vadd.f32 v25, v23;
	v17 =	vld.idx.msk [tilespmem:v6+s14+$0x0], $0xffff  }
0x151: {  	s30 =	simm.s32 $0x15AD0;
	s31 =	simm.s32 $0x11A50;
	s18 =	simm.s32 $0x6;
	v19 =	vld [tilespmem:s17+$0xFFFFFFD0]  }
.LBB2_8:
0x152: {  	p2 =	slt.u32 s18, $0x3E;
	v25 =	vld [tilespmem:s30+$0x0];
	v23 =	vadd.f32 v23, v8;
	s28 =	sadd.s32 $0x200, s28;
	v18 =	vadd.f32 v20, v18;
	s2 =	smov.u32 s13  }
0x153: {  	v20 =	vld.idx.msk [tilespmem:v14+s28+$0x100], $0xffff  }
0x154: {  	v24 =	vld.idx.msk [tilespmem:v24+s20+$0x0], $0xffff;
	v21 =	vadd.f32 v22, v21;
	[tilespmem:s24+$0x20] =	vst v23;
	v18 =	vadd.f32 v18, v3  }
0x155: {  	v22 =	vld [tilespmem:s3+$0x30]  }
0x156: {  	v21 =	vadd.f32 v21, v7;
	v23 =	vld.idx.msk [tilespmem:v10+s31+$0x100], $0xffff;
	v17 =	vadd.f32 v19, v17;
	[tilespmem:s19+$0x50] =	vst v18  }
0x157: {  	v18 =	vld.idx.msk [tilespmem:v5+s14+$0x100], $0xffff  }
0x158: {  	[tilespmem:s13+$0xFFFFFFE0] =	vst v21;
	v17 =	vadd.f32 v17, v4;
	v19 =	vld [tilespmem:s17+$0x60]  }
0x159: {  	v21 =	vld.idx.msk [tilespmem:v14+s28+$0x0], $0xffff  }
0x15a: {  	s8 =	sadd.s32 $0x100, s8;
	v20 =	vadd.f32 v25, v20;
	v26 =	vld [tilespmem:s30+$0xFFFFFF80];
	[tilespmem:s12+$0x10] =	vst v17  }
0x15b: {  	s29 =	sadd.s32 $0xFFFFFF80, s8;
	v17 =	vld.idx.msk [tilespmem:v10+s31+$0x0], $0xffff  }
0x15c: {  	s4 =	sand.u32 $0x380, s8;
	s29 =	sand.u32 $0x1C00, s29;
	v20 =	vadd.f32 v20, v24;
	v22 =	vadd.f32 v22, v23;
	v25 =	vld [tilespmem:s3+$0xFFFFFFB0]  }
0x15d: {  	s4 =	sor.u32 s4, s29;
	v23 =	vld.idx.msk [tilespmem:v5+s14+$0x0], $0xffff;
	v18 =	vadd.f32 v19, v18  }
0x15e: {  	v19 =	vadd.f32 v22, v8;
	[tilespmem:v16+s4+$0x18850 ss:$0x1] =	vst.idx.msk $0xffff, v20;
	v20 =	vld [tilespmem:s17+$0xFFFFFFE0]  }
0x15f: {  	v21 =	vadd.f32 v26, v21;
	v22 =	vld [tilespmem:s30+$0x10];
	v18 =	vadd.f32 v18, v3  }
0x160: {  	v26 =	vld.idx.msk [tilespmem:v13+s28+$0x100], $0xffff;
	[tilespmem:s24+$0x30] =	vst v19  }
0x161: {  	v19 =	vadd.f32 v21, v11;
	v17 =	vadd.f32 v25, v17;
	v21 =	vld.idx.msk [tilespmem:v9+s31+$0x100], $0xffff;
	[tilespmem:s19+$0x60] =	vst v18  }
0x162: {  	s13 =	sadd.s32 $0x100, s13;
	v18 =	vmov s18;
	v25 =	vld.idx.msk [tilespmem:v2+s14+$0x100], $0xffff  }
0x163: {  	v18 =	vand.u32 $0x3E, v18;
	[tilespmem:s13+$0xFFFFFFC0] =	vst v19;
	v17 =	vadd.f32 v17, v7;
	v19 =	vadd.f32 v20, v23;
	v20 =	vld [tilespmem:s17+$0x70]  }
0x164: {  	v18 =	vor.u32 v15, v18;
	v23 =	vld [tilespmem:s3+$0x40]  }
0x165: {  	v18 =	vbroadcast v18, $0x0;
	v27 =	vld.idx.msk [tilespmem:v13+s28+$0x0], $0xffff;
	[tilespmem:s2+$0xFFFFFFF0] =	vst v17;
	v17 =	vadd.f32 v19, v4  }
0x166: {  	v19 =	vld [tilespmem:s30+$0xFFFFFF90]  }
0x167: {  	v22 =	vadd.f32 v22, v26;
	v26 =	vld.idx.msk [tilespmem:v9+s31+$0x0], $0xffff;
	[tilespmem:s12+$0x20] =	vst v17  }
0x168: {  	v17 =	vld [tilespmem:s3+$0xFFFFFFC0];
	v20 =	vadd.f32 v20, v25  }
0x169: {  	s4 =	sadd.s32 s23, s4;
	v22 =	vadd.f32 v22, v24;
	v21 =	vadd.f32 v23, v21;
	v23 =	vld.idx.msk [tilespmem:v2+s14+$0x0], $0xffff;
	s14 =	smov.u32 s31;
	s31 =	smov.u32 s28  }
0x16a: {  	s4 =	sadd.s32 $0x18850, s4;
	v25 =	vld [tilespmem:s17+$0xFFFFFFF0];
	v20 =	vadd.f32 v20, v3;
	v3 =	vmov v8;
	v8 =	vmov v24;
	s17 =	smov.u32 s3;
	s3 =	smov.u32 s30  }
0x16b: {  	v28 =	vld.idx.msk [tilespmem:v18+s20+$0x0], $0xffff;
	v18 =	vadd.f32 v19, v27;
	[tilespmem:s4+$0x10] =	vst v22;
	v19 =	vadd.f32 v21, v3  }
0x16c: {  	s29 =	sadd.s32 $0x1, s18;
	v27 =	vld.idx.msk [tilespmem:v12+s28+$0x100], $0xffff;
	[tilespmem:s19+$0x70] =	vst v20;
	s19 =	smov.u32 s24;
	s24 =	smov.u32 s4  }
0x16d: {  	v20 =	vmov s29;
	v21 =	vadd.f32 v18, v11;
	v29 =	vld [tilespmem:s30+$0x20];
	v17 =	vadd.f32 v17, v26;
	[tilespmem:s19+$0x40] =	vst v19  }
0x16e: {  	v19 =	vand.u32 $0x3F, v20;
	v18 =	vld.idx.msk [tilespmem:v6+s14+$0x100], $0xffff  }
.Ltmp4:
0x16f: {  	v19 =	vor.u32 v15, v19;
	[tilespmem:s13+$0xFFFFFFD0] =	vst v21;
	v17 =	vadd.f32 v17, v7;
	v20 =	vld [tilespmem:s17+$0x50];
	v23 =	vadd.f32 v25, v23;
	(pc) =	sbr.rel @p2 .LBB2_8-.Ltmp4, $4  }
0x170: {  	v24 =	vbroadcast v19, $0x0;
	v21 =	vld.idx.msk [tilespmem:v12+s28+$0x0], $0xffff  }
0x171: {  	v22 =	vld [tilespmem:s30+$0xFFFFFFA0];
	[tilespmem:s2+$0x0] =	vst v17;
	v25 =	vadd.f32 v23, v4;
	v4 =	vmovc v7;
	v7 =	vmov v11;
	v11 =	vmov v28  }
0x172: {  	v23 =	vadd.f32 v29, v27;
	v17 =	vld.idx.msk [tilespmem:v6+s14+$0x0], $0xffff  }
0x173: {  	s18 =	sadd.s32 $0x2, s18;
	s30 =	sadd.s32 $0x100, s30;
	v19 =	vld [tilespmem:s17+$0xFFFFFFD0];
	[tilespmem:s12+$0x30] =	vst v25;
	s12 =	smov.u32 s2  }
0x174: {  	_ =	sdelay $0x2  }
0x175: {  	v25 =	vld [tilespmem:s30+$0x0]  }
0x176: {  	s18 =	sadd.s32 $0x200, s28;
	v15 =	vld.idx.msk [tilespmem:v24+s20+$0x0], $0xffff  }
0x177: {  	v26 =	vld.idx.msk [tilespmem:v14+s18+$0x100], $0xffff  }
0x178: {  	v30 =	vld [tilespmem:s30+$0xFFFFFF80]  }
0x179: {  	v29 =	vld.idx.msk [tilespmem:v14+s18+$0x0], $0xffff;
	_ =	sdelay $0x2  }
0x17a: {  	s2 =	sadd.s32 $0x100, s8;
	v25 =	vadd.f32 v25, v26  }
0x17b: {  	s4 =	sadd.s32 $0xFFFFFF80, s2  }
0x17c: {  	s2 =	sand.u32 $0x380, s2;
	s4 =	sand.u32 $0x1C00, s4;
	v14 =	vadd.f32 v30, v29;
	v31 =	vadd.f32 v25, v15  }
0x17d: {  	s2 =	sor.u32 s2, s4  }
0x17e: {  	v14 =	vadd.f32 v14, v11;
	[tilespmem:v16+s2+$0x18850 ss:$0x1] =	vst.idx.msk $0xffff, v31  }
0x17f: {  	s8 =	sadd.s32 $0x100, s13;
	v16 =	vld [tilespmem:s30+$0x10]  }
0x180: {  	[tilespmem:s8+$0xFFFFFFC0] =	vst v14;
	v24 =	vld.idx.msk [tilespmem:v13+s18+$0x100], $0xffff  }
0x181: {  	v32 =	vld.idx.msk [tilespmem:v13+s18+$0x0], $0xffff  }
0x182: {  	v14 =	vld [tilespmem:s30+$0xFFFFFF90];
	_ =	sdelay $0x2  }
0x183: {  	v16 =	vadd.f32 v16, v24;
	_ =	sdelay $0x1  }
0x184: {  	s2 =	sadd.s32 s23, s2;
	v13 =	vadd.f32 v14, v32;
	v16 =	vadd.f32 v16, v15  }
0x185: {  	s4 =	sadd.s32 $0x18850, s2  }
0x186: {  	v13 =	vadd.f32 v13, v11;
	[tilespmem:s4+$0x10] =	vst v16  }
0x187: {  	v33 =	vld.idx.msk [tilespmem:v12+s18+$0x100], $0xffff  }
0x188: {  	[tilespmem:s8+$0xFFFFFFD0] =	vst v13;
	v16 =	vld [tilespmem:s30+$0x20]  }
0x189: {  	v21 =	vadd.f32 v22, v21;
	v34 =	vld.idx.msk [tilespmem:v12+s18+$0x0], $0xffff  }
0x18a: {  	v13 =	vld [tilespmem:s30+$0xFFFFFFA0]  }
0x18b: {  	v21 =	vadd.f32 v21, v7;
	_ =	sdelay $0x1  }
0x18c: {  	v23 =	vadd.f32 v23, v8;
	[tilespmem:s13+$0xFFFFFFE0] =	vst v21;
	v14 =	vadd.f32 v16, v33  }
0x18d: {  	v37 =	vld.idx.msk [tilespmem:v10+s31+$0x0], $0xffff  }
0x18e: {  	[tilespmem:s24+$0x20] =	vst v23;
	v21 =	vld [tilespmem:s3+$0xFFFFFFB0];
	v12 =	vadd.f32 v13, v34;
	v14 =	vadd.f32 v14, v15  }
0x18f: {  	v35 =	vld [tilespmem:s3+$0x30]  }
0x190: {  	v36 =	vld.idx.msk [tilespmem:v10+s31+$0x100], $0xffff;
	v12 =	vadd.f32 v12, v11;
	[tilespmem:s4+$0x20] =	vst v14  }
0x191: {  	v14 =	vld [tilespmem:s30+$0x30]  }
0x192: {  	[tilespmem:s8+$0xFFFFFFE0] =	vst v12;
	v38 =	vld.idx.msk [tilespmem:v10+s18+$0x100], $0xffff  }
0x193: {  	v13 =	vadd.f32 v21, v37;
	v40 =	vld.idx.msk [tilespmem:v10+s18+$0x0], $0xffff  }
0x194: {  	v41 =	vld [tilespmem:s30+$0xFFFFFFB0]  }
0x195: {  	v39 =	vadd.f32 v35, v36;
	v42 =	vadd.f32 v13, v7;
	_ =	sdelay $0x1  }
0x196: {  	v12 =	vadd.f32 v39, v8;
	[tilespmem:s13+$0xFFFFFFF0] =	vst v42;
	v43 =	vadd.f32 v14, v38  }
0x197: {  	v47 =	vld.idx.msk [tilespmem:v9+s31+$0x0], $0xffff  }
0x198: {  	v48 =	vld [tilespmem:s3+$0xFFFFFFC0];
	[tilespmem:s24+$0x30] =	vst v12;
	v10 =	vadd.f32 v41, v40;
	v46 =	vadd.f32 v43, v15  }
0x199: {  	v44 =	vld.idx.msk [tilespmem:v9+s31+$0x100], $0xffff  }
0x19a: {  	v49 =	vadd.f32 v20, v18;
	v45 =	vld [tilespmem:s3+$0x40];
	v10 =	vadd.f32 v10, v11;
	[tilespmem:s4+$0x30] =	vst v46  }
0x19b: {  	v50 =	vld.idx.msk [tilespmem:v9+s18+$0x100], $0xffff  }
0x19c: {  	v52 =	vadd.f32 v49, v3;
	[tilespmem:s8+$0xFFFFFFF0] =	vst v10;
	v51 =	vld [tilespmem:s30+$0x40]  }
0x19d: {  	v57 =	vadd.f32 v48, v47;
	v54 =	vld.idx.msk [tilespmem:v9+s18+$0x0], $0xffff  }
0x19e: {  	[tilespmem:s19+$0x50] =	vst v52;
	v55 =	vld [tilespmem:s30+$0xFFFFFFC0]  }
0x19f: {  	v58 =	vld.idx.msk [tilespmem:v5+s14+$0x100], $0xffff;
	v53 =	vadd.f32 v45, v44;
	v60 =	vadd.f32 v57, v7  }
0x1a0: {  	v59 =	vld [tilespmem:s17+$0x60]  }
0x1a1: {  	v56 =	vadd.f32 v53, v8;
	[tilespmem:s13+$0x0] =	vst v60;
	v61 =	vadd.f32 v51, v50  }
0x1a2: {  	v23 =	vld.idx.msk [tilespmem:v6+s31+$0x0], $0xffff  }
0x1a3: {  	v25 =	vld [tilespmem:s3+$0xFFFFFFD0];
	[tilespmem:s24+$0x40] =	vst v56;
	v9 =	vadd.f32 v55, v54;
	v22 =	vadd.f32 v61, v15  }
0x1a4: {  	v62 =	vld.idx.msk [tilespmem:v6+s31+$0x100], $0xffff  }
0x1a5: {  	v13 =	vadd.f32 v59, v58;
	v63 =	vld [tilespmem:s3+$0x50];
	v9 =	vadd.f32 v9, v11;
	[tilespmem:s4+$0x40] =	vst v22  }
0x1a6: {  	v24 =	vadd.f32 v19, v17;
	v10 =	vld.idx.msk [tilespmem:v6+s18+$0x100], $0xffff  }
0x1a7: {  	v13 =	vadd.f32 v13, v3;
	[tilespmem:s8+$0x0] =	vst v9;
	v26 =	vld [tilespmem:s30+$0x50]  }
0x1a8: {  	v14 =	vadd.f32 v24, v4;
	v12 =	vadd.f32 v25, v23;
	v28 =	vld.idx.msk [tilespmem:v6+s18+$0x0], $0xffff  }
0x1a9: {  	[tilespmem:s19+$0x60] =	vst v13;
	v29 =	vld [tilespmem:s30+$0xFFFFFFD0]  }
0x1aa: {  	v13 =	vld.idx.msk [tilespmem:v2+s14+$0x100], $0xffff;
	[tilespmem:s12+$0x10] =	vst v14;
	v27 =	vadd.f32 v63, v62;
	v32 =	vadd.f32 v12, v7  }
0x1ab: {  	v30 =	vld.idx.msk [tilespmem:v5+s14+$0x0], $0xffff  }
0x1ac: {  	v31 =	vld [tilespmem:s17+$0xFFFFFFE0];
	v9 =	vadd.f32 v27, v8;
	[tilespmem:s13+$0x10] =	vst v32;
	v10 =	vadd.f32 v26, v10  }
0x1ad: {  	v36 =	vld.idx.msk [tilespmem:v5+s31+$0x0], $0xffff  }
0x1ae: {  	v37 =	vld [tilespmem:s3+$0xFFFFFFE0];
	[tilespmem:s24+$0x50] =	vst v9;
	v6 =	vadd.f32 v29, v28;
	v35 =	vadd.f32 v10, v15  }
0x1af: {  	v33 =	vld.idx.msk [tilespmem:v5+s31+$0x100], $0xffff  }
0x1b0: {  	v34 =	vld [tilespmem:s3+$0x60];
	v6 =	vadd.f32 v6, v11;
	[tilespmem:s4+$0x50] =	vst v35  }
0x1b1: {  	v38 =	vadd.f32 v31, v30;
	v39 =	vld.idx.msk [tilespmem:v5+s18+$0x100], $0xffff  }
0x1b2: {  	[tilespmem:s8+$0x10] =	vst v6;
	v40 =	vld [tilespmem:s30+$0x60]  }
0x1b3: {  	v41 =	vadd.f32 v38, v4;
	v47 =	vadd.f32 v37, v36;
	v43 =	vld.idx.msk [tilespmem:v5+s18+$0x0], $0xffff  }
0x1b4: {  	v44 =	vld [tilespmem:s30+$0xFFFFFFE0]  }
0x1b5: {  	v45 =	vld [tilespmem:s17+$0x70];
	[tilespmem:s12+$0x20] =	vst v41;
	v42 =	vadd.f32 v34, v33;
	v50 =	vadd.f32 v47, v7  }
0x1b6: {  	v48 =	vld.idx.msk [tilespmem:v2+s14+$0x0], $0xffff  }
0x1b7: {  	v49 =	vld [tilespmem:s17+$0xFFFFFFF0];
	v46 =	vadd.f32 v42, v8;
	[tilespmem:s13+$0x20] =	vst v50;
	v51 =	vadd.f32 v40, v39  }
0x1b8: {  	v55 =	vld.idx.msk [tilespmem:v2+s31+$0x0], $0xffff  }
0x1b9: {  	v56 =	vld [tilespmem:s3+$0xFFFFFFF0];
	[tilespmem:s24+$0x60] =	vst v46;
	v5 =	vadd.f32 v44, v43;
	v54 =	vadd.f32 v51, v15  }
0x1ba: {  	v52 =	vld.idx.msk [tilespmem:v2+s31+$0x100], $0xffff  }
0x1bb: {  	v53 =	vld [tilespmem:s3+$0x70];
	v5 =	vadd.f32 v5, v11;
	[tilespmem:s4+$0x60] =	vst v54  }
0x1bc: {  	v6 =	vld.idx.msk [tilespmem:v2+s18+$0x100], $0xffff  }
0x1bd: {  	[tilespmem:s8+$0x20] =	vst v5;
	v57 =	vld [tilespmem:s30+$0x70]  }
0x1be: {  	v2 =	vld.idx.msk [tilespmem:v2+s18+$0x0], $0xffff  }
0x1bf: {  	v58 =	vadd.f32 v45, v13;
	v59 =	vld [tilespmem:s30+$0xFFFFFFF0]  }
0x1c0: {  	v10 =	vadd.f32 v49, v48  }
0x1c1: {  	v3 =	vadd.f32 v58, v3;
	v60 =	vadd.f32 v53, v52  }
0x1c2: {  	v61 =	vadd.f32 v10, v4;
	v9 =	vadd.f32 v56, v55  }
0x1c3: {  	s29 =	sadd.s32 s16, s9;
	s9 =	sadd.s32 $0x1, s9;
	[tilespmem:s19+$0x70] =	vst v3;
	v3 =	vadd.f32 v60, v8;
	v62 =	vadd.f32 v57, v6  }
0x1c4: {  	p2 =	sne.s32 s9, $0x10;
	[tilespmem:s12+$0x30] =	vst v61;
	v63 =	vadd.f32 v9, v7;
	v2 =	vadd.f32 v59, v2  }
.Ltmp5:
0x1c5: {  	[tilespmem:s24+$0x70] =	vst v3;
	v3 =	vadd.f32 v62, v15;
	(pc) =	sbr.rel @p2 .LBB2_7-.Ltmp5, $4  }
0x1c6: {  	[tilespmem:s13+$0x30] =	vst v63;
	v2 =	vadd.f32 v2, v11  }
0x1c7: {  	p1 =	por !p1, !p1;
	s2 =	sshll.u32 s29, $0xD;
	[tilespmem:s4+$0x70] =	vst v3  }
0x1c8: {  	s2 =	sadd.s32 s2, s6;
	s31 =	sor.u32 $0x18850, s23;
	s30 =	sadd.s32 $0x3, s10;
	[tilespmem:s8+$0x30] =	vst v2  }
0x1c9: {  	[hbm4b:s2+s0] =	stream.strided.scatter [tilespmem:s31], [sflag:s30], $0x2000, s21, s0, $0x38;
	[tilespmem:$0x1C850] =	vst v63  }
0x1ca: {  	_ =	swait.ge [sflag:s22], $0x2000  }
.Ltmp6:
0x1cb: {  	[sflag:s22] =	ssyncset.done $0x0;
	(pc) =	sbr.rel @p0 .LBB2_12-.Ltmp6, $4  }
0x1cc: {  	[sflag:s22] =	ssyncadd.s32 $0xFFFFE000  }
0x1cd: {  	_ =	swait.ge [sflag:s26], $0x2000  }
0x1ce: {  	[sflag:s26] =	ssyncset.done $0x0  }
0x1cf: {  	[sflag:s26] =	ssyncadd.s32 $0xFFFFE000  }
.Ltmp7:
0x1d0: {  	(pc) =	sbr.rel .LBB2_4-.Ltmp7, $4  }
0x1d1: {  	_ = 	snop  }
0x1d2: {  	_ =	swait.ge [sflag:s1], $0x800  }
0x1d3: {  	[sflag:s1] =	ssyncset.done $0x0  }
0x1d4: {  	s5 =	sadd.s32 $0x1, s5;
	[sflag:s1] =	ssyncadd.s32 $0xFFFFF800  }
.LBB2_13:
0x1d5: {  	_ =	sfence.sel $0x180000  }
0x1d6: {  	[bflag:$0x0] =	sbarrier.arrive $0xFFFF  }
0x1d7: {  	_ =	strace $0x90000047  }
0x1d8: {  	s0 =	stileid.u32;
	[bflag:$0x2] =	sbarrier.arrive $0xFFFF  }
0x1d9: {  	p0 =	sne.s32 s0, $0x0;
	s0 =	rddreg [dreg:$0x4]  }
0x1da: {  	s0 =	sadd.s32 @!p0 $0x100000, s0  }
0x1db: {  	[sflag:s0] =	ssyncadd.tile.s32 @!p0 $0x1;
	_ =	shalt  }
.Lfunc_end2:
_tile_overlayer_lowered:
.L_overlay_start_2:
0x1dc: {  	(tag) =	ssettag $0x2  }
0x1dd: {  	s0 =	rddreg [dreg:$0x0];
	s2 =	stileid.u32  }
0x1de: {  	s1 =	rddreg [dreg:$0x1];
	p0 =	sne.s32 s2, $0x0  }
0x1df: {  	s3 =	rddreg [dreg:$0x2];
	[bflag:$0x3] =	sbarrier.arrive $0xFFFF;
	s2 =	simm.s32 @!p0 $0x1C06  }
0x1e0: {  	[timem:s3], [sflag:s2] =	dma.local @!p0 [hbm:s0], s1  }
0x1e1: {  	s0 =	simm.s32 @!p0 $0x6  }
0x1e2: {  	_ =	swait.ge @!p0 [sflag:s0], s1  }
0x1e3: {  	s1 =	ssub.s32 @!p0 $0x0, s1;
	[sflag:s0] =	ssyncset.done @!p0 $0x0  }
0x1e4: {  	[sflag:s0] =	ssyncadd.s32 @!p0 s1  }
0x1e5: {  	[bflag:$0x3] =	sbarrier.arrive $0xFFFF  }
0x1e6: {  	_ =	shalt  }

</sc_bundles>
